<compile_context>
chip_gen: v7x
topology: tpu7x:2x2x1
jax: 0.10.2.dev20260603
libtpu: 0.0.44.dev20260713+nightly
codegen_flags: <defaults>
</compile_context>

<pallas_src>
import functools
import math

import jax
import jax.numpy as jnp
from jax import lax
from jax.experimental import pallas as pl
from jax.experimental.pallas import tpu as pltpu
from jax.experimental.pallas import tpu_sc as plsc

VOCAB = 100000
D_MODEL = 128
BATCH = 4096
SEQ = 50

NUM_CORES = 2
NUM_SUBCORES = 16
NW = NUM_CORES * NUM_SUBCORES
B_PER_W = BATCH // NW
G = 4
N_GROUPS = B_PER_W // G
SCALE = math.sqrt(D_MODEL)


def _sc_kernel(x_hbm, table_hbm, out_hbm, idx_v, buf0, buf1, gs0, gs1, ss0, ss1):
    wid = lax.axis_index("s") * NUM_CORES + lax.axis_index("c")
    b_base = wid * B_PER_W
    pltpu.sync_copy(x_hbm.at[pl.ds(b_base, B_PER_W)], idx_v)

    def fire_gathers(g, buf, gsem):
        copies = []
        for k in range(G):
            r = g * G + k
            copies.append(
                pltpu.async_copy(table_hbm.at[idx_v.at[r]], buf.at[k], gsem))
        return copies

    def scale_buf(buf):
        def row_body(r, c2):
            for k in range(G):
                for c8 in range(D_MODEL // 16):
                    sl = pl.ds(c8 * 16, 16)
                    buf[k, r, sl] = buf[k, r, sl] * SCALE
            return c2
        lax.fori_loop(0, SEQ, row_body, 0, unroll=False)

    def drain_scatter(buf, ssem):
        pltpu.make_async_copy(buf, out_hbm.at[pl.ds(b_base, G)], ssem).wait()

    def body(i, carry):
        g0 = i * 2
        g1 = i * 2 + 1

        @pl.when(i > 0)
        def _():
            drain_scatter(buf0, ss0)
        gcopies0 = fire_gathers(g0, buf0, gs0)

        @pl.when(i > 0)
        def _():
            drain_scatter(buf1, ss1)
        gcopies1 = fire_gathers(g1, buf1, gs1)

        for c in gcopies0:
            c.wait()
        scale_buf(buf0)
        pltpu.async_copy(buf0, out_hbm.at[pl.ds(b_base + g0 * G, G)], ss0)

        for c in gcopies1:
            c.wait()
        scale_buf(buf1)
        pltpu.async_copy(buf1, out_hbm.at[pl.ds(b_base + g1 * G, G)], ss1)
        return carry

    lax.fori_loop(0, N_GROUPS // 2, body, 0, unroll=False)
    drain_scatter(buf0, ss0)
    drain_scatter(buf1, ss1)


@functools.partial(jax.jit)
def kernel(x, table):
    mesh = plsc.VectorSubcoreMesh(core_axis_name="c", subcore_axis_name="s")
    return pl.kernel(
        _sc_kernel,
        mesh=mesh,
        out_type=jax.ShapeDtypeStruct((BATCH, SEQ, D_MODEL), jnp.float32),
        scratch_types=[
            pltpu.VMEM((B_PER_W, SEQ), jnp.int32),
            pltpu.VMEM((G, SEQ, D_MODEL), jnp.float32),
            pltpu.VMEM((G, SEQ, D_MODEL), jnp.float32),
            pltpu.SemaphoreType.DMA,
            pltpu.SemaphoreType.DMA,
            pltpu.SemaphoreType.DMA,
            pltpu.SemaphoreType.DMA,
        ],
    )(x.astype(jnp.int32), table)

# --- scband reference (transcript-rebuilt; emitter-appended) ---
"""Pipeline reference for scband-embeddings-13391708029148 (READ-ONLY COPY).

The authoritative reference and input builder live on the scoring server;
editing this copy changes nothing except your own understanding.
"""

import jax, jax.numpy as jnp
import numpy as np
import math

VOCAB = 100000
D_MODEL = 128
BATCH = 4096
SEQ = 50

def setup_inputs(seed: int = 0) -> dict:
    key = jax.random.key(seed)
    k1, k2 = jax.random.split(key)
    x = jax.random.randint(k1, (BATCH, SEQ), 0, VOCAB, dtype=jnp.int64 if jax.config.jax_enable_x64 else jnp.int32)
    # nn.Embedding default init: N(0, 1)
    table = jax.random.normal(k2, (VOCAB, D_MODEL), dtype=jnp.float32)
    return {"x": x, "table": table}

def reference(x, table):
    # Embeddings.forward: embed(x) * sqrt(d_model)
    emb = jnp.take(table, x, axis=0)
    return emb * math.sqrt(D_MODEL)

if __name__ == "__main__":
    import jax
    _d = setup_inputs()
    print(jax.jit(kernel)(*tuple(_d.values())))

</pallas_src>

<mosaic_0001>
#map = affine_map<(d0, d1) -> (0, 0)>
#map1 = affine_map<(d0, d1) -> (0, 0, 0)>
module attributes {stable_mosaic.version = 14 : i64} {
  func.func @_sc_kernel(%arg0: i32, %arg1: i32, %arg2: memref<4096x50xi32, #tpu.memory_space<hbm>>, %arg3: memref<100000x128xf32, #tpu.memory_space<hbm>>, %arg4: memref<4096x50x128xf32, #tpu.memory_space<hbm>>, %arg5: memref<128x50xi32, #tpu.memory_space<vmem>>, %arg6: memref<4x50x128xf32, #tpu.memory_space<vmem>>, %arg7: memref<4x50x128xf32, #tpu.memory_space<vmem>>, %arg8: memref<!tpu.dma_semaphore, #tpu.memory_space<semaphore_mem>>, %arg9: memref<!tpu.dma_semaphore, #tpu.memory_space<semaphore_mem>>, %arg10: memref<!tpu.dma_semaphore, #tpu.memory_space<semaphore_mem>>, %arg11: memref<!tpu.dma_semaphore, #tpu.memory_space<semaphore_mem>>) attributes {dimension_semantics = [#tpu.dimension_semantics<core_parallel>, #tpu.dimension_semantics<subcore_parallel>], iteration_bounds = array<i64: 2, 16>, scalar_prefetch = 0 : i64, scratch_operands = 7 : i64, tpu.core_type = #tpu.core_type<sc_vector_subcore>, window_params = [{transform_indices = #map}, {transform_indices = #map}, {transform_indices = #map1}]} {
    %mul3A = arith.constant 2 : i32
    %mul3A_0 = arith.muli %arg1, %mul3A : i32
    %add3A = arith.addi %mul3A_0, %arg0 : i32
    %mul3A_1 = arith.constant 128 : i32
    %mul3A_2 = arith.muli %add3A, %mul3A_1 : i32
    "tpu.region"() ({
      %run_scoped3A = tpu.sem_alloc : memref<!tpu.dma_semaphore, #tpu.memory_space<semaphore_mem>>
      %dma_start3A = arith.constant 0 : i32
      %dma_start3A_19 = tpu.memref_slice %arg2[%mul3A_2, %dma_start3A] : memref<4096x50xi32, #tpu.memory_space<hbm>> -> memref<128x50xi32, #tpu.memory_space<hbm>>
      %dma_start3A_20 = arith.constant 0 : i32
      %dma_start3A_21 = tpu.memref_slice %arg2[%mul3A_2, %dma_start3A_20] : memref<4096x50xi32, #tpu.memory_space<hbm>> -> memref<128x50xi32, #tpu.memory_space<hbm>>
      tpu.enqueue_dma source(%dma_start3A_21 : memref<128x50xi32, #tpu.memory_space<hbm>>) target(%arg5 : memref<128x50xi32, #tpu.memory_space<vmem>>) target_semaphore(%run_scoped3A : memref<!tpu.dma_semaphore, #tpu.memory_space<semaphore_mem>>)
      %dma_wait3A_22 = arith.constant 0 : i32
      %dma_wait3A_23 = tpu.memref_slice %arg2[%mul3A_2, %dma_wait3A_22] : memref<4096x50xi32, #tpu.memory_space<hbm>> -> memref<128x50xi32, #tpu.memory_space<hbm>>
      %dma_wait3A_24 = arith.constant 0 : i32
      %dma_wait3A_25 = tpu.memref_slice %arg2[%mul3A_2, %dma_wait3A_24] : memref<4096x50xi32, #tpu.memory_space<hbm>> -> memref<128x50xi32, #tpu.memory_space<hbm>>
      tpu.wait_dma2 semaphore(%run_scoped3A : memref<!tpu.dma_semaphore, #tpu.memory_space<semaphore_mem>>) src(%dma_wait3A_25 : memref<128x50xi32, #tpu.memory_space<hbm>>) dst(%arg5 : memref<128x50xi32, #tpu.memory_space<vmem>>)
      tpu.yield
    }) : () -> ()
    %scan3A = arith.constant 0 : i32
    %scan3A_3 = arith.constant 0 : i32
    %scan3A_4 = arith.constant 16 : i32
    %scan3A_5 = arith.addi %scan3A_3, %scan3A_4 : i32
    %scan3A_6 = arith.constant 1 : i32
    scf.for %scan3A_19 = %scan3A_3 to %scan3A_5 step %scan3A_6  : i32 {
      %mul3A_20 = arith.constant 2 : i32
      %mul3A_21 = arith.muli %scan3A_19, %mul3A_20 : i32
      %mul3A_22 = arith.constant 2 : i32
      %mul3A_23 = arith.muli %scan3A_19, %mul3A_22 : i32
      %add3A_24 = arith.constant 1 : i32
      %add3A_25 = arith.addi %mul3A_23, %add3A_24 : i32
      %gt3A = arith.constant 0 : i32
      %gt3A_26 = arith.cmpi sgt, %scan3A_19, %gt3A : i32
      %convert_element_type3A = arith.extui %gt3A_26 : i1 to i32
      %cond3A = arith.constant 0 : i32
      %cond3A_27 = arith.cmpi ne, %convert_element_type3A, %cond3A : i32
      scf.if %cond3A_27 {
        %dma_wait3A_270 = arith.constant 0 : i32
        %dma_wait3A_271 = arith.constant 0 : i32
        %dma_wait3A_272 = tpu.memref_slice %arg4[%mul3A_2, %dma_wait3A_270, %dma_wait3A_271] : memref<4096x50x128xf32, #tpu.memory_space<hbm>> -> memref<4x50x128xf32, #tpu.memory_space<hbm>>
        %dma_wait3A_273 = arith.constant 0 : i32
        %dma_wait3A_274 = arith.constant 0 : i32
        %dma_wait3A_275 = tpu.memref_slice %arg4[%mul3A_2, %dma_wait3A_273, %dma_wait3A_274] : memref<4096x50x128xf32, #tpu.memory_space<hbm>> -> memref<4x50x128xf32, #tpu.memory_space<hbm>>
        tpu.wait_dma2 semaphore(%arg10 : memref<!tpu.dma_semaphore, #tpu.memory_space<semaphore_mem>>) src(%arg6 : memref<4x50x128xf32, #tpu.memory_space<vmem>>) dst(%dma_wait3A_275 : memref<4x50x128xf32, #tpu.memory_space<hbm>>)
      } else {
      }
      %mul3A_28 = arith.constant 4 : i32
      %mul3A_29 = arith.muli %mul3A_21, %mul3A_28 : i32
      %add3A_30 = arith.constant 0 : i32
      %add3A_31 = arith.addi %mul3A_29, %add3A_30 : i32
      %dma_start3A = arith.constant 0 : i32
      %dma_start3A_32 = arith.constant 0 : i32
      %dma_start3A_33 = arith.constant 0 : i32
      %dma_start3A_34 = tpu.memref_slice %arg6[%dma_start3A, %dma_start3A_32, %dma_start3A_33] : memref<4x50x128xf32, #tpu.memory_space<vmem>> -> memref<1x50x128xf32, #tpu.memory_space<vmem>>
      %dma_start3A_35 = tpu.memref_squeeze %dma_start3A_34 : memref<1x50x128xf32, #tpu.memory_space<vmem>> -> memref<50x128xf32, #tpu.memory_space<vmem>>
      %dma_start3A_36 = arith.constant 0 : i32
      %dma_start3A_37 = tpu.memref_slice %arg5[%add3A_31, %dma_start3A_36] : memref<128x50xi32, #tpu.memory_space<vmem>> -> memref<1x50xi32, #tpu.memory_space<vmem>>
      %dma_start3A_38 = tpu.memref_squeeze %dma_start3A_37 : memref<1x50xi32, #tpu.memory_space<vmem>> -> memref<50xi32, #tpu.memory_space<vmem>>
      %dma_start3A_39 = arith.constant 0 : i32
      %dma_start3A_40 = arith.constant 0 : i32
      %dma_start3A_41 = tpu.memref_slice %arg3[%dma_start3A_39, %dma_start3A_40] : memref<100000x128xf32, #tpu.memory_space<hbm>> -> memref<100000x128xf32, #tpu.memory_space<hbm>>
      tpu.enqueue_indirect_dma source(%dma_start3A_41 : memref<100000x128xf32, #tpu.memory_space<hbm>>) target(%dma_start3A_35 : memref<50x128xf32, #tpu.memory_space<vmem>>) offsets(%dma_start3A_38 : memref<50xi32, #tpu.memory_space<vmem>>) semaphore(%arg8 : memref<!tpu.dma_semaphore, #tpu.memory_space<semaphore_mem>>)
      %mul3A_42 = arith.constant 4 : i32
      %mul3A_43 = arith.muli %mul3A_21, %mul3A_42 : i32
      %add3A_44 = arith.constant 1 : i32
      %add3A_45 = arith.addi %mul3A_43, %add3A_44 : i32
      %dma_start3A_46 = arith.constant 1 : i32
      %dma_start3A_47 = arith.constant 0 : i32
      %dma_start3A_48 = arith.constant 0 : i32
      %dma_start3A_49 = tpu.memref_slice %arg6[%dma_start3A_46, %dma_start3A_47, %dma_start3A_48] : memref<4x50x128xf32, #tpu.memory_space<vmem>> -> memref<1x50x128xf32, #tpu.memory_space<vmem>>
      %dma_start3A_50 = tpu.memref_squeeze %dma_start3A_49 : memref<1x50x128xf32, #tpu.memory_space<vmem>> -> memref<50x128xf32, #tpu.memory_space<vmem>>
      %dma_start3A_51 = arith.constant 0 : i32
      %dma_start3A_52 = tpu.memref_slice %arg5[%add3A_45, %dma_start3A_51] : memref<128x50xi32, #tpu.memory_space<vmem>> -> memref<1x50xi32, #tpu.memory_space<vmem>>
      %dma_start3A_53 = tpu.memref_squeeze %dma_start3A_52 : memref<1x50xi32, #tpu.memory_space<vmem>> -> memref<50xi32, #tpu.memory_space<vmem>>
      %dma_start3A_54 = arith.constant 0 : i32
      %dma_start3A_55 = arith.constant 0 : i32
      %dma_start3A_56 = tpu.memref_slice %arg3[%dma_start3A_54, %dma_start3A_55] : memref<100000x128xf32, #tpu.memory_space<hbm>> -> memref<100000x128xf32, #tpu.memory_space<hbm>>
      tpu.enqueue_indirect_dma source(%dma_start3A_56 : memref<100000x128xf32, #tpu.memory_space<hbm>>) target(%dma_start3A_50 : memref<50x128xf32, #tpu.memory_space<vmem>>) offsets(%dma_start3A_53 : memref<50xi32, #tpu.memory_space<vmem>>) semaphore(%arg8 : memref<!tpu.dma_semaphore, #tpu.memory_space<semaphore_mem>>)
      %mul3A_57 = arith.constant 4 : i32
      %mul3A_58 = arith.muli %mul3A_21, %mul3A_57 : i32
      %add3A_59 = arith.constant 2 : i32
      %add3A_60 = arith.addi %mul3A_58, %add3A_59 : i32
      %dma_start3A_61 = arith.constant 2 : i32
      %dma_start3A_62 = arith.constant 0 : i32
      %dma_start3A_63 = arith.constant 0 : i32
      %dma_start3A_64 = tpu.memref_slice %arg6[%dma_start3A_61, %dma_start3A_62, %dma_start3A_63] : memref<4x50x128xf32, #tpu.memory_space<vmem>> -> memref<1x50x128xf32, #tpu.memory_space<vmem>>
      %dma_start3A_65 = tpu.memref_squeeze %dma_start3A_64 : memref<1x50x128xf32, #tpu.memory_space<vmem>> -> memref<50x128xf32, #tpu.memory_space<vmem>>
      %dma_start3A_66 = arith.constant 0 : i32
      %dma_start3A_67 = tpu.memref_slice %arg5[%add3A_60, %dma_start3A_66] : memref<128x50xi32, #tpu.memory_space<vmem>> -> memref<1x50xi32, #tpu.memory_space<vmem>>
      %dma_start3A_68 = tpu.memref_squeeze %dma_start3A_67 : memref<1x50xi32, #tpu.memory_space<vmem>> -> memref<50xi32, #tpu.memory_space<vmem>>
      %dma_start3A_69 = arith.constant 0 : i32
      %dma_start3A_70 = arith.constant 0 : i32
      %dma_start3A_71 = tpu.memref_slice %arg3[%dma_start3A_69, %dma_start3A_70] : memref<100000x128xf32, #tpu.memory_space<hbm>> -> memref<100000x128xf32, #tpu.memory_space<hbm>>
      tpu.enqueue_indirect_dma source(%dma_start3A_71 : memref<100000x128xf32, #tpu.memory_space<hbm>>) target(%dma_start3A_65 : memref<50x128xf32, #tpu.memory_space<vmem>>) offsets(%dma_start3A_68 : memref<50xi32, #tpu.memory_space<vmem>>) semaphore(%arg8 : memref<!tpu.dma_semaphore, #tpu.memory_space<semaphore_mem>>)
      %mul3A_72 = arith.constant 4 : i32
      %mul3A_73 = arith.muli %mul3A_21, %mul3A_72 : i32
      %add3A_74 = arith.constant 3 : i32
      %add3A_75 = arith.addi %mul3A_73, %add3A_74 : i32
      %dma_start3A_76 = arith.constant 3 : i32
      %dma_start3A_77 = arith.constant 0 : i32
      %dma_start3A_78 = arith.constant 0 : i32
      %dma_start3A_79 = tpu.memref_slice %arg6[%dma_start3A_76, %dma_start3A_77, %dma_start3A_78] : memref<4x50x128xf32, #tpu.memory_space<vmem>> -> memref<1x50x128xf32, #tpu.memory_space<vmem>>
      %dma_start3A_80 = tpu.memref_squeeze %dma_start3A_79 : memref<1x50x128xf32, #tpu.memory_space<vmem>> -> memref<50x128xf32, #tpu.memory_space<vmem>>
      %dma_start3A_81 = arith.constant 0 : i32
      %dma_start3A_82 = tpu.memref_slice %arg5[%add3A_75, %dma_start3A_81] : memref<128x50xi32, #tpu.memory_space<vmem>> -> memref<1x50xi32, #tpu.memory_space<vmem>>
      %dma_start3A_83 = tpu.memref_squeeze %dma_start3A_82 : memref<1x50xi32, #tpu.memory_space<vmem>> -> memref<50xi32, #tpu.memory_space<vmem>>
      %dma_start3A_84 = arith.constant 0 : i32
      %dma_start3A_85 = arith.constant 0 : i32
      %dma_start3A_86 = tpu.memref_slice %arg3[%dma_start3A_84, %dma_start3A_85] : memref<100000x128xf32, #tpu.memory_space<hbm>> -> memref<100000x128xf32, #tpu.memory_space<hbm>>
      tpu.enqueue_indirect_dma source(%dma_start3A_86 : memref<100000x128xf32, #tpu.memory_space<hbm>>) target(%dma_start3A_80 : memref<50x128xf32, #tpu.memory_space<vmem>>) offsets(%dma_start3A_83 : memref<50xi32, #tpu.memory_space<vmem>>) semaphore(%arg8 : memref<!tpu.dma_semaphore, #tpu.memory_space<semaphore_mem>>)
      %gt3A_87 = arith.constant 0 : i32
      %gt3A_88 = arith.cmpi sgt, %scan3A_19, %gt3A_87 : i32
      %convert_element_type3A_89 = arith.extui %gt3A_88 : i1 to i32
      %cond3A_90 = arith.constant 0 : i32
      %cond3A_91 = arith.cmpi ne, %convert_element_type3A_89, %cond3A_90 : i32
      scf.if %cond3A_91 {
        %dma_wait3A_270 = arith.constant 0 : i32
        %dma_wait3A_271 = arith.constant 0 : i32
        %dma_wait3A_272 = tpu.memref_slice %arg4[%mul3A_2, %dma_wait3A_270, %dma_wait3A_271] : memref<4096x50x128xf32, #tpu.memory_space<hbm>> -> memref<4x50x128xf32, #tpu.memory_space<hbm>>
        %dma_wait3A_273 = arith.constant 0 : i32
        %dma_wait3A_274 = arith.constant 0 : i32
        %dma_wait3A_275 = tpu.memref_slice %arg4[%mul3A_2, %dma_wait3A_273, %dma_wait3A_274] : memref<4096x50x128xf32, #tpu.memory_space<hbm>> -> memref<4x50x128xf32, #tpu.memory_space<hbm>>
        tpu.wait_dma2 semaphore(%arg11 : memref<!tpu.dma_semaphore, #tpu.memory_space<semaphore_mem>>) src(%arg7 : memref<4x50x128xf32, #tpu.memory_space<vmem>>) dst(%dma_wait3A_275 : memref<4x50x128xf32, #tpu.memory_space<hbm>>)
      } else {
      }
      %mul3A_92 = arith.constant 4 : i32
      %mul3A_93 = arith.muli %add3A_25, %mul3A_92 : i32
      %add3A_94 = arith.constant 0 : i32
      %add3A_95 = arith.addi %mul3A_93, %add3A_94 : i32
      %dma_start3A_96 = arith.constant 0 : i32
      %dma_start3A_97 = arith.constant 0 : i32
      %dma_start3A_98 = arith.constant 0 : i32
      %dma_start3A_99 = tpu.memref_slice %arg7[%dma_start3A_96, %dma_start3A_97, %dma_start3A_98] : memref<4x50x128xf32, #tpu.memory_space<vmem>> -> memref<1x50x128xf32, #tpu.memory_space<vmem>>
      %dma_start3A_100 = tpu.memref_squeeze %dma_start3A_99 : memref<1x50x128xf32, #tpu.memory_space<vmem>> -> memref<50x128xf32, #tpu.memory_space<vmem>>
      %dma_start3A_101 = arith.constant 0 : i32
      %dma_start3A_102 = tpu.memref_slice %arg5[%add3A_95, %dma_start3A_101] : memref<128x50xi32, #tpu.memory_space<vmem>> -> memref<1x50xi32, #tpu.memory_space<vmem>>
      %dma_start3A_103 = tpu.memref_squeeze %dma_start3A_102 : memref<1x50xi32, #tpu.memory_space<vmem>> -> memref<50xi32, #tpu.memory_space<vmem>>
      %dma_start3A_104 = arith.constant 0 : i32
      %dma_start3A_105 = arith.constant 0 : i32
      %dma_start3A_106 = tpu.memref_slice %arg3[%dma_start3A_104, %dma_start3A_105] : memref<100000x128xf32, #tpu.memory_space<hbm>> -> memref<100000x128xf32, #tpu.memory_space<hbm>>
      tpu.enqueue_indirect_dma source(%dma_start3A_106 : memref<100000x128xf32, #tpu.memory_space<hbm>>) target(%dma_start3A_100 : memref<50x128xf32, #tpu.memory_space<vmem>>) offsets(%dma_start3A_103 : memref<50xi32, #tpu.memory_space<vmem>>) semaphore(%arg9 : memref<!tpu.dma_semaphore, #tpu.memory_space<semaphore_mem>>)
      %mul3A_107 = arith.constant 4 : i32
      %mul3A_108 = arith.muli %add3A_25, %mul3A_107 : i32
      %add3A_109 = arith.constant 1 : i32
      %add3A_110 = arith.addi %mul3A_108, %add3A_109 : i32
      %dma_start3A_111 = arith.constant 1 : i32
      %dma_start3A_112 = arith.constant 0 : i32
      %dma_start3A_113 = arith.constant 0 : i32
      %dma_start3A_114 = tpu.memref_slice %arg7[%dma_start3A_111, %dma_start3A_112, %dma_start3A_113] : memref<4x50x128xf32, #tpu.memory_space<vmem>> -> memref<1x50x128xf32, #tpu.memory_space<vmem>>
      %dma_start3A_115 = tpu.memref_squeeze %dma_start3A_114 : memref<1x50x128xf32, #tpu.memory_space<vmem>> -> memref<50x128xf32, #tpu.memory_space<vmem>>
      %dma_start3A_116 = arith.constant 0 : i32
      %dma_start3A_117 = tpu.memref_slice %arg5[%add3A_110, %dma_start3A_116] : memref<128x50xi32, #tpu.memory_space<vmem>> -> memref<1x50xi32, #tpu.memory_space<vmem>>
      %dma_start3A_118 = tpu.memref_squeeze %dma_start3A_117 : memref<1x50xi32, #tpu.memory_space<vmem>> -> memref<50xi32, #tpu.memory_space<vmem>>
      %dma_start3A_119 = arith.constant 0 : i32
      %dma_start3A_120 = arith.constant 0 : i32
      %dma_start3A_121 = tpu.memref_slice %arg3[%dma_start3A_119, %dma_start3A_120] : memref<100000x128xf32, #tpu.memory_space<hbm>> -> memref<100000x128xf32, #tpu.memory_space<hbm>>
      tpu.enqueue_indirect_dma source(%dma_start3A_121 : memref<100000x128xf32, #tpu.memory_space<hbm>>) target(%dma_start3A_115 : memref<50x128xf32, #tpu.memory_space<vmem>>) offsets(%dma_start3A_118 : memref<50xi32, #tpu.memory_space<vmem>>) semaphore(%arg9 : memref<!tpu.dma_semaphore, #tpu.memory_space<semaphore_mem>>)
      %mul3A_122 = arith.constant 4 : i32
      %mul3A_123 = arith.muli %add3A_25, %mul3A_122 : i32
      %add3A_124 = arith.constant 2 : i32
      %add3A_125 = arith.addi %mul3A_123, %add3A_124 : i32
      %dma_start3A_126 = arith.constant 2 : i32
      %dma_start3A_127 = arith.constant 0 : i32
      %dma_start3A_128 = arith.constant 0 : i32
      %dma_start3A_129 = tpu.memref_slice %arg7[%dma_start3A_126, %dma_start3A_127, %dma_start3A_128] : memref<4x50x128xf32, #tpu.memory_space<vmem>> -> memref<1x50x128xf32, #tpu.memory_space<vmem>>
      %dma_start3A_130 = tpu.memref_squeeze %dma_start3A_129 : memref<1x50x128xf32, #tpu.memory_space<vmem>> -> memref<50x128xf32, #tpu.memory_space<vmem>>
      %dma_start3A_131 = arith.constant 0 : i32
      %dma_start3A_132 = tpu.memref_slice %arg5[%add3A_125, %dma_start3A_131] : memref<128x50xi32, #tpu.memory_space<vmem>> -> memref<1x50xi32, #tpu.memory_space<vmem>>
      %dma_start3A_133 = tpu.memref_squeeze %dma_start3A_132 : memref<1x50xi32, #tpu.memory_space<vmem>> -> memref<50xi32, #tpu.memory_space<vmem>>
      %dma_start3A_134 = arith.constant 0 : i32
      %dma_start3A_135 = arith.constant 0 : i32
      %dma_start3A_136 = tpu.memref_slice %arg3[%dma_start3A_134, %dma_start3A_135] : memref<100000x128xf32, #tpu.memory_space<hbm>> -> memref<100000x128xf32, #tpu.memory_space<hbm>>
      tpu.enqueue_indirect_dma source(%dma_start3A_136 : memref<100000x128xf32, #tpu.memory_space<hbm>>) target(%dma_start3A_130 : memref<50x128xf32, #tpu.memory_space<vmem>>) offsets(%dma_start3A_133 : memref<50xi32, #tpu.memory_space<vmem>>) semaphore(%arg9 : memref<!tpu.dma_semaphore, #tpu.memory_space<semaphore_mem>>)
      %mul3A_137 = arith.constant 4 : i32
      %mul3A_138 = arith.muli %add3A_25, %mul3A_137 : i32
      %add3A_139 = arith.constant 3 : i32
      %add3A_140 = arith.addi %mul3A_138, %add3A_139 : i32
      %dma_start3A_141 = arith.constant 3 : i32
      %dma_start3A_142 = arith.constant 0 : i32
      %dma_start3A_143 = arith.constant 0 : i32
      %dma_start3A_144 = tpu.memref_slice %arg7[%dma_start3A_141, %dma_start3A_142, %dma_start3A_143] : memref<4x50x128xf32, #tpu.memory_space<vmem>> -> memref<1x50x128xf32, #tpu.memory_space<vmem>>
      %dma_start3A_145 = tpu.memref_squeeze %dma_start3A_144 : memref<1x50x128xf32, #tpu.memory_space<vmem>> -> memref<50x128xf32, #tpu.memory_space<vmem>>
      %dma_start3A_146 = arith.constant 0 : i32
      %dma_start3A_147 = tpu.memref_slice %arg5[%add3A_140, %dma_start3A_146] : memref<128x50xi32, #tpu.memory_space<vmem>> -> memref<1x50xi32, #tpu.memory_space<vmem>>
      %dma_start3A_148 = tpu.memref_squeeze %dma_start3A_147 : memref<1x50xi32, #tpu.memory_space<vmem>> -> memref<50xi32, #tpu.memory_space<vmem>>
      %dma_start3A_149 = arith.constant 0 : i32
      %dma_start3A_150 = arith.constant 0 : i32
      %dma_start3A_151 = tpu.memref_slice %arg3[%dma_start3A_149, %dma_start3A_150] : memref<100000x128xf32, #tpu.memory_space<hbm>> -> memref<100000x128xf32, #tpu.memory_space<hbm>>
      tpu.enqueue_indirect_dma source(%dma_start3A_151 : memref<100000x128xf32, #tpu.memory_space<hbm>>) target(%dma_start3A_145 : memref<50x128xf32, #tpu.memory_space<vmem>>) offsets(%dma_start3A_148 : memref<50xi32, #tpu.memory_space<vmem>>) semaphore(%arg9 : memref<!tpu.dma_semaphore, #tpu.memory_space<semaphore_mem>>)
      %dma_wait3A_152 = arith.constant 0 : i32
      %dma_wait3A_153 = arith.constant 0 : i32
      %dma_wait3A_154 = arith.constant 0 : i32
      %dma_wait3A_155 = tpu.memref_slice %arg6[%dma_wait3A_152, %dma_wait3A_153, %dma_wait3A_154] : memref<4x50x128xf32, #tpu.memory_space<vmem>> -> memref<1x50x128xf32, #tpu.memory_space<vmem>>
      %dma_wait3A_156 = tpu.memref_squeeze %dma_wait3A_155 : memref<1x50x128xf32, #tpu.memory_space<vmem>> -> memref<50x128xf32, #tpu.memory_space<vmem>>
      %dma_wait3A_157 = arith.constant 0 : i32
      %dma_wait3A_158 = tpu.memref_slice %arg5[%add3A_31, %dma_wait3A_157] : memref<128x50xi32, #tpu.memory_space<vmem>> -> memref<1x50xi32, #tpu.memory_space<vmem>>
      %dma_wait3A_159 = tpu.memref_squeeze %dma_wait3A_158 : memref<1x50xi32, #tpu.memory_space<vmem>> -> memref<50xi32, #tpu.memory_space<vmem>>
      %dma_wait3A_160 = arith.constant 0 : i32
      %dma_wait3A_161 = arith.constant 0 : i32
      %dma_wait3A_162 = tpu.memref_slice %arg3[%dma_wait3A_160, %dma_wait3A_161] : memref<100000x128xf32, #tpu.memory_space<hbm>> -> memref<100000x128xf32, #tpu.memory_space<hbm>>
      tpu.wait_indirect_dma semaphore(%arg8 : memref<!tpu.dma_semaphore, #tpu.memory_space<semaphore_mem>>) src(%dma_wait3A_162 : memref<100000x128xf32, #tpu.memory_space<hbm>>) dst(%dma_wait3A_156 : memref<50x128xf32, #tpu.memory_space<vmem>>)
      %dma_wait3A_163 = arith.constant 1 : i32
      %dma_wait3A_164 = arith.constant 0 : i32
      %dma_wait3A_165 = arith.constant 0 : i32
      %dma_wait3A_166 = tpu.memref_slice %arg6[%dma_wait3A_163, %dma_wait3A_164, %dma_wait3A_165] : memref<4x50x128xf32, #tpu.memory_space<vmem>> -> memref<1x50x128xf32, #tpu.memory_space<vmem>>
      %dma_wait3A_167 = tpu.memref_squeeze %dma_wait3A_166 : memref<1x50x128xf32, #tpu.memory_space<vmem>> -> memref<50x128xf32, #tpu.memory_space<vmem>>
      %dma_wait3A_168 = arith.constant 0 : i32
      %dma_wait3A_169 = tpu.memref_slice %arg5[%add3A_45, %dma_wait3A_168] : memref<128x50xi32, #tpu.memory_space<vmem>> -> memref<1x50xi32, #tpu.memory_space<vmem>>
      %dma_wait3A_170 = tpu.memref_squeeze %dma_wait3A_169 : memref<1x50xi32, #tpu.memory_space<vmem>> -> memref<50xi32, #tpu.memory_space<vmem>>
      %dma_wait3A_171 = arith.constant 0 : i32
      %dma_wait3A_172 = arith.constant 0 : i32
      %dma_wait3A_173 = tpu.memref_slice %arg3[%dma_wait3A_171, %dma_wait3A_172] : memref<100000x128xf32, #tpu.memory_space<hbm>> -> memref<100000x128xf32, #tpu.memory_space<hbm>>
      tpu.wait_indirect_dma semaphore(%arg8 : memref<!tpu.dma_semaphore, #tpu.memory_space<semaphore_mem>>) src(%dma_wait3A_173 : memref<100000x128xf32, #tpu.memory_space<hbm>>) dst(%dma_wait3A_167 : memref<50x128xf32, #tpu.memory_space<vmem>>)
      %dma_wait3A_174 = arith.constant 2 : i32
      %dma_wait3A_175 = arith.constant 0 : i32
      %dma_wait3A_176 = arith.constant 0 : i32
      %dma_wait3A_177 = tpu.memref_slice %arg6[%dma_wait3A_174, %dma_wait3A_175, %dma_wait3A_176] : memref<4x50x128xf32, #tpu.memory_space<vmem>> -> memref<1x50x128xf32, #tpu.memory_space<vmem>>
      %dma_wait3A_178 = tpu.memref_squeeze %dma_wait3A_177 : memref<1x50x128xf32, #tpu.memory_space<vmem>> -> memref<50x128xf32, #tpu.memory_space<vmem>>
      %dma_wait3A_179 = arith.constant 0 : i32
      %dma_wait3A_180 = tpu.memref_slice %arg5[%add3A_60, %dma_wait3A_179] : memref<128x50xi32, #tpu.memory_space<vmem>> -> memref<1x50xi32, #tpu.memory_space<vmem>>
      %dma_wait3A_181 = tpu.memref_squeeze %dma_wait3A_180 : memref<1x50xi32, #tpu.memory_space<vmem>> -> memref<50xi32, #tpu.memory_space<vmem>>
      %dma_wait3A_182 = arith.constant 0 : i32
      %dma_wait3A_183 = arith.constant 0 : i32
      %dma_wait3A_184 = tpu.memref_slice %arg3[%dma_wait3A_182, %dma_wait3A_183] : memref<100000x128xf32, #tpu.memory_space<hbm>> -> memref<100000x128xf32, #tpu.memory_space<hbm>>
      tpu.wait_indirect_dma semaphore(%arg8 : memref<!tpu.dma_semaphore, #tpu.memory_space<semaphore_mem>>) src(%dma_wait3A_184 : memref<100000x128xf32, #tpu.memory_space<hbm>>) dst(%dma_wait3A_178 : memref<50x128xf32, #tpu.memory_space<vmem>>)
      %dma_wait3A_185 = arith.constant 3 : i32
      %dma_wait3A_186 = arith.constant 0 : i32
      %dma_wait3A_187 = arith.constant 0 : i32
      %dma_wait3A_188 = tpu.memref_slice %arg6[%dma_wait3A_185, %dma_wait3A_186, %dma_wait3A_187] : memref<4x50x128xf32, #tpu.memory_space<vmem>> -> memref<1x50x128xf32, #tpu.memory_space<vmem>>
      %dma_wait3A_189 = tpu.memref_squeeze %dma_wait3A_188 : memref<1x50x128xf32, #tpu.memory_space<vmem>> -> memref<50x128xf32, #tpu.memory_space<vmem>>
      %dma_wait3A_190 = arith.constant 0 : i32
      %dma_wait3A_191 = tpu.memref_slice %arg5[%add3A_75, %dma_wait3A_190] : memref<128x50xi32, #tpu.memory_space<vmem>> -> memref<1x50xi32, #tpu.memory_space<vmem>>
      %dma_wait3A_192 = tpu.memref_squeeze %dma_wait3A_191 : memref<1x50xi32, #tpu.memory_space<vmem>> -> memref<50xi32, #tpu.memory_space<vmem>>
      %dma_wait3A_193 = arith.constant 0 : i32
      %dma_wait3A_194 = arith.constant 0 : i32
      %dma_wait3A_195 = tpu.memref_slice %arg3[%dma_wait3A_193, %dma_wait3A_194] : memref<100000x128xf32, #tpu.memory_space<hbm>> -> memref<100000x128xf32, #tpu.memory_space<hbm>>
      tpu.wait_indirect_dma semaphore(%arg8 : memref<!tpu.dma_semaphore, #tpu.memory_space<semaphore_mem>>) src(%dma_wait3A_195 : memref<100000x128xf32, #tpu.memory_space<hbm>>) dst(%dma_wait3A_189 : memref<50x128xf32, #tpu.memory_space<vmem>>)
      %scan3A_196 = arith.constant 0 : i32
      %scan3A_197 = arith.constant 0 : i32
      %scan3A_198 = arith.constant 50 : i32
      %scan3A_199 = arith.addi %scan3A_197, %scan3A_198 : i32
      %scan3A_200 = arith.constant 1 : i32
      scf.for %scan3A_270 = %scan3A_197 to %scan3A_199 step %scan3A_200  : i32 {
        %get3A = arith.constant 0 : i32
        %get3A_271 = arith.index_cast %get3A : i32 to index
        %get3A_272 = arith.index_cast %scan3A_270 : i32 to index
        %get3A_273 = arith.constant 0 : index
        %get3A_274 = tpu.vector_load %arg6[%get3A_271, %get3A_272, %get3A_273] {strides = array<i32>} : memref<4x50x128xf32, #tpu.memory_space<vmem>>, vector<1x1x16xf32>,
        %get3A_275 = vector.shape_cast %get3A_274 : vector<1x1x16xf32> to vector<16xf32>
        %mul3A_276 = arith.constant 11.3137083 : f32
        %mul3A_277 = vector.broadcast %mul3A_276 : f32 to vector<16xf32>
        %mul3A_278 = arith.mulf %get3A_275, %mul3A_277 : vector<16xf32>
        %swap3A = arith.constant 0 : i32
        %swap3A_279 = arith.index_cast %swap3A : i32 to index
        %swap3A_280 = arith.index_cast %scan3A_270 : i32 to index
        %swap3A_281 = arith.constant 0 : index
        %swap3A_282 = tpu.vector_load %arg6[%swap3A_279, %swap3A_280, %swap3A_281] {strides = array<i32>} : memref<4x50x128xf32, #tpu.memory_space<vmem>>, vector<1x1x16xf32>,
        %swap3A_283 = vector.shape_cast %swap3A_282 : vector<1x1x16xf32> to vector<16xf32>
        %swap3A_284 = vector.shape_cast %mul3A_278 : vector<16xf32> to vector<1x1x16xf32>
        tpu.vector_store %arg6[%swap3A_279, %swap3A_280, %swap3A_281], %swap3A_284 {strides = array<i32>} : memref<4x50x128xf32, #tpu.memory_space<vmem>>, vector<1x1x16xf32>,
        %get3A_285 = arith.constant 0 : i32
        %get3A_286 = arith.index_cast %get3A_285 : i32 to index
        %get3A_287 = arith.index_cast %scan3A_270 : i32 to index
        %get3A_288 = arith.constant 16 : index
        %get3A_289 = tpu.vector_load %arg6[%get3A_286, %get3A_287, %get3A_288] {strides = array<i32>} : memref<4x50x128xf32, #tpu.memory_space<vmem>>, vector<1x1x16xf32>,
        %get3A_290 = vector.shape_cast %get3A_289 : vector<1x1x16xf32> to vector<16xf32>
        %mul3A_291 = arith.constant 11.3137083 : f32
        %mul3A_292 = vector.broadcast %mul3A_291 : f32 to vector<16xf32>
        %mul3A_293 = arith.mulf %get3A_290, %mul3A_292 : vector<16xf32>
        %swap3A_294 = arith.constant 0 : i32
        %swap3A_295 = arith.index_cast %swap3A_294 : i32 to index
        %swap3A_296 = arith.index_cast %scan3A_270 : i32 to index
        %swap3A_297 = arith.constant 16 : index
        %swap3A_298 = tpu.vector_load %arg6[%swap3A_295, %swap3A_296, %swap3A_297] {strides = array<i32>} : memref<4x50x128xf32, #tpu.memory_space<vmem>>, vector<1x1x16xf32>,
        %swap3A_299 = vector.shape_cast %swap3A_298 : vector<1x1x16xf32> to vector<16xf32>
        %swap3A_300 = vector.shape_cast %mul3A_293 : vector<16xf32> to vector<1x1x16xf32>
        tpu.vector_store %arg6[%swap3A_295, %swap3A_296, %swap3A_297], %swap3A_300 {strides = array<i32>} : memref<4x50x128xf32, #tpu.memory_space<vmem>>, vector<1x1x16xf32>,
        %get3A_301 = arith.constant 0 : i32
        %get3A_302 = arith.index_cast %get3A_301 : i32 to index
        %get3A_303 = arith.index_cast %scan3A_270 : i32 to index
        %get3A_304 = arith.constant 32 : index
        %get3A_305 = tpu.vector_load %arg6[%get3A_302, %get3A_303, %get3A_304] {strides = array<i32>} : memref<4x50x128xf32, #tpu.memory_space<vmem>>, vector<1x1x16xf32>,
        %get3A_306 = vector.shape_cast %get3A_305 : vector<1x1x16xf32> to vector<16xf32>
        %mul3A_307 = arith.constant 11.3137083 : f32
        %mul3A_308 = vector.broadcast %mul3A_307 : f32 to vector<16xf32>
        %mul3A_309 = arith.mulf %get3A_306, %mul3A_308 : vector<16xf32>
        %swap3A_310 = arith.constant 0 : i32
        %swap3A_311 = arith.index_cast %swap3A_310 : i32 to index
        %swap3A_312 = arith.index_cast %scan3A_270 : i32 to index
        %swap3A_313 = arith.constant 32 : index
        %swap3A_314 = tpu.vector_load %arg6[%swap3A_311, %swap3A_312, %swap3A_313] {strides = array<i32>} : memref<4x50x128xf32, #tpu.memory_space<vmem>>, vector<1x1x16xf32>,
        %swap3A_315 = vector.shape_cast %swap3A_314 : vector<1x1x16xf32> to vector<16xf32>
        %swap3A_316 = vector.shape_cast %mul3A_309 : vector<16xf32> to vector<1x1x16xf32>
        tpu.vector_store %arg6[%swap3A_311, %swap3A_312, %swap3A_313], %swap3A_316 {strides = array<i32>} : memref<4x50x128xf32, #tpu.memory_space<vmem>>, vector<1x1x16xf32>,
        %get3A_317 = arith.constant 0 : i32
        %get3A_318 = arith.index_cast %get3A_317 : i32 to index
        %get3A_319 = arith.index_cast %scan3A_270 : i32 to index
        %get3A_320 = arith.constant 48 : index
        %get3A_321 = tpu.vector_load %arg6[%get3A_318, %get3A_319, %get3A_320] {strides = array<i32>} : memref<4x50x128xf32, #tpu.memory_space<vmem>>, vector<1x1x16xf32>,
        %get3A_322 = vector.shape_cast %get3A_321 : vector<1x1x16xf32> to vector<16xf32>
        %mul3A_323 = arith.constant 11.3137083 : f32
        %mul3A_324 = vector.broadcast %mul3A_323 : f32 to vector<16xf32>
        %mul3A_325 = arith.mulf %get3A_322, %mul3A_324 : vector<16xf32>
        %swap3A_326 = arith.constant 0 : i32
        %swap3A_327 = arith.index_cast %swap3A_326 : i32 to index
        %swap3A_328 = arith.index_cast %scan3A_270 : i32 to index
        %swap3A_329 = arith.constant 48 : index
        %swap3A_330 = tpu.vector_load %arg6[%swap3A_327, %swap3A_328, %swap3A_329] {strides = array<i32>} : memref<4x50x128xf32, #tpu.memory_space<vmem>>, vector<1x1x16xf32>,
        %swap3A_331 = vector.shape_cast %swap3A_330 : vector<1x1x16xf32> to vector<16xf32>
        %swap3A_332 = vector.shape_cast %mul3A_325 : vector<16xf32> to vector<1x1x16xf32>
        tpu.vector_store %arg6[%swap3A_327, %swap3A_328, %swap3A_329], %swap3A_332 {strides = array<i32>} : memref<4x50x128xf32, #tpu.memory_space<vmem>>, vector<1x1x16xf32>,
        %get3A_333 = arith.constant 0 : i32
        %get3A_334 = arith.index_cast %get3A_333 : i32 to index
        %get3A_335 = arith.index_cast %scan3A_270 : i32 to index
        %get3A_336 = arith.constant 64 : index
        %get3A_337 = tpu.vector_load %arg6[%get3A_334, %get3A_335, %get3A_336] {strides = array<i32>} : memref<4x50x128xf32, #tpu.memory_space<vmem>>, vector<1x1x16xf32>,
        %get3A_338 = vector.shape_cast %get3A_337 : vector<1x1x16xf32> to vector<16xf32>
        %mul3A_339 = arith.constant 11.3137083 : f32
        %mul3A_340 = vector.broadcast %mul3A_339 : f32 to vector<16xf32>
        %mul3A_341 = arith.mulf %get3A_338, %mul3A_340 : vector<16xf32>
        %swap3A_342 = arith.constant 0 : i32
        %swap3A_343 = arith.index_cast %swap3A_342 : i32 to index
        %swap3A_344 = arith.index_cast %scan3A_270 : i32 to index
        %swap3A_345 = arith.constant 64 : index
        %swap3A_346 = tpu.vector_load %arg6[%swap3A_343, %swap3A_344, %swap3A_345] {strides = array<i32>} : memref<4x50x128xf32, #tpu.memory_space<vmem>>, vector<1x1x16xf32>,
        %swap3A_347 = vector.shape_cast %swap3A_346 : vector<1x1x16xf32> to vector<16xf32>
        %swap3A_348 = vector.shape_cast %mul3A_341 : vector<16xf32> to vector<1x1x16xf32>
        tpu.vector_store %arg6[%swap3A_343, %swap3A_344, %swap3A_345], %swap3A_348 {strides = array<i32>} : memref<4x50x128xf32, #tpu.memory_space<vmem>>, vector<1x1x16xf32>,
        %get3A_349 = arith.constant 0 : i32
        %get3A_350 = arith.index_cast %get3A_349 : i32 to index
        %get3A_351 = arith.index_cast %scan3A_270 : i32 to index
        %get3A_352 = arith.constant 80 : index
        %get3A_353 = tpu.vector_load %arg6[%get3A_350, %get3A_351, %get3A_352] {strides = array<i32>} : memref<4x50x128xf32, #tpu.memory_space<vmem>>, vector<1x1x16xf32>,
        %get3A_354 = vector.shape_cast %get3A_353 : vector<1x1x16xf32> to vector<16xf32>
        %mul3A_355 = arith.constant 11.3137083 : f32
        %mul3A_356 = vector.broadcast %mul3A_355 : f32 to vector<16xf32>
        %mul3A_357 = arith.mulf %get3A_354, %mul3A_356 : vector<16xf32>
        %swap3A_358 = arith.constant 0 : i32
        %swap3A_359 = arith.index_cast %swap3A_358 : i32 to index
        %swap3A_360 = arith.index_cast %scan3A_270 : i32 to index
        %swap3A_361 = arith.constant 80 : index
        %swap3A_362 = tpu.vector_load %arg6[%swap3A_359, %swap3A_360, %swap3A_361] {strides = array<i32>} : memref<4x50x128xf32, #tpu.memory_space<vmem>>, vector<1x1x16xf32>,
        %swap3A_363 = vector.shape_cast %swap3A_362 : vector<1x1x16xf32> to vector<16xf32>
        %swap3A_364 = vector.shape_cast %mul3A_357 : vector<16xf32> to vector<1x1x16xf32>
        tpu.vector_store %arg6[%swap3A_359, %swap3A_360, %swap3A_361], %swap3A_364 {strides = array<i32>} : memref<4x50x128xf32, #tpu.memory_space<vmem>>, vector<1x1x16xf32>,
        %get3A_365 = arith.constant 0 : i32
        %get3A_366 = arith.index_cast %get3A_365 : i32 to index
        %get3A_367 = arith.index_cast %scan3A_270 : i32 to index
        %get3A_368 = arith.constant 96 : index
        %get3A_369 = tpu.vector_load %arg6[%get3A_366, %get3A_367, %get3A_368] {strides = array<i32>} : memref<4x50x128xf32, #tpu.memory_space<vmem>>, vector<1x1x16xf32>,
        %get3A_370 = vector.shape_cast %get3A_369 : vector<1x1x16xf32> to vector<16xf32>
        %mul3A_371 = arith.constant 11.3137083 : f32
        %mul3A_372 = vector.broadcast %mul3A_371 : f32 to vector<16xf32>
        %mul3A_373 = arith.mulf %get3A_370, %mul3A_372 : vector<16xf32>
        %swap3A_374 = arith.constant 0 : i32
        %swap3A_375 = arith.index_cast %swap3A_374 : i32 to index
        %swap3A_376 = arith.index_cast %scan3A_270 : i32 to index
        %swap3A_377 = arith.constant 96 : index
        %swap3A_378 = tpu.vector_load %arg6[%swap3A_375, %swap3A_376, %swap3A_377] {strides = array<i32>} : memref<4x50x128xf32, #tpu.memory_space<vmem>>, vector<1x1x16xf32>,
        %swap3A_379 = vector.shape_cast %swap3A_378 : vector<1x1x16xf32> to vector<16xf32>
        %swap3A_380 = vector.shape_cast %mul3A_373 : vector<16xf32> to vector<1x1x16xf32>
        tpu.vector_store %arg6[%swap3A_375, %swap3A_376, %swap3A_377], %swap3A_380 {strides = array<i32>} : memref<4x50x128xf32, #tpu.memory_space<vmem>>, vector<1x1x16xf32>,
        %get3A_381 = arith.constant 0 : i32
        %get3A_382 = arith.index_cast %get3A_381 : i32 to index
        %get3A_383 = arith.index_cast %scan3A_270 : i32 to index
        %get3A_384 = arith.constant 112 : index
        %get3A_385 = tpu.vector_load %arg6[%get3A_382, %get3A_383, %get3A_384] {strides = array<i32>} : memref<4x50x128xf32, #tpu.memory_space<vmem>>, vector<1x1x16xf32>,
        %get3A_386 = vector.shape_cast %get3A_385 : vector<1x1x16xf32> to vector<16xf32>
        %mul3A_387 = arith.constant 11.3137083 : f32
        %mul3A_388 = vector.broadcast %mul3A_387 : f32 to vector<16xf32>
        %mul3A_389 = arith.mulf %get3A_386, %mul3A_388 : vector<16xf32>
        %swap3A_390 = arith.constant 0 : i32
        %swap3A_391 = arith.index_cast %swap3A_390 : i32 to index
        %swap3A_392 = arith.index_cast %scan3A_270 : i32 to index
        %swap3A_393 = arith.constant 112 : index
        %swap3A_394 = tpu.vector_load %arg6[%swap3A_391, %swap3A_392, %swap3A_393] {strides = array<i32>} : memref<4x50x128xf32, #tpu.memory_space<vmem>>, vector<1x1x16xf32>,
        %swap3A_395 = vector.shape_cast %swap3A_394 : vector<1x1x16xf32> to vector<16xf32>
        %swap3A_396 = vector.shape_cast %mul3A_389 : vector<16xf32> to vector<1x1x16xf32>
        tpu.vector_store %arg6[%swap3A_391, %swap3A_392, %swap3A_393], %swap3A_396 {strides = array<i32>} : memref<4x50x128xf32, #tpu.memory_space<vmem>>, vector<1x1x16xf32>,
        %get3A_397 = arith.constant 1 : i32
        %get3A_398 = arith.index_cast %get3A_397 : i32 to index
        %get3A_399 = arith.index_cast %scan3A_270 : i32 to index
        %get3A_400 = arith.constant 0 : index
        %get3A_401 = tpu.vector_load %arg6[%get3A_398, %get3A_399, %get3A_400] {strides = array<i32>} : memref<4x50x128xf32, #tpu.memory_space<vmem>>, vector<1x1x16xf32>,
        %get3A_402 = vector.shape_cast %get3A_401 : vector<1x1x16xf32> to vector<16xf32>
        %mul3A_403 = arith.constant 11.3137083 : f32
        %mul3A_404 = vector.broadcast %mul3A_403 : f32 to vector<16xf32>
        %mul3A_405 = arith.mulf %get3A_402, %mul3A_404 : vector<16xf32>
        %swap3A_406 = arith.constant 1 : i32
        %swap3A_407 = arith.index_cast %swap3A_406 : i32 to index
        %swap3A_408 = arith.index_cast %scan3A_270 : i32 to index
        %swap3A_409 = arith.constant 0 : index
        %swap3A_410 = tpu.vector_load %arg6[%swap3A_407, %swap3A_408, %swap3A_409] {strides = array<i32>} : memref<4x50x128xf32, #tpu.memory_space<vmem>>, vector<1x1x16xf32>,
        %swap3A_411 = vector.shape_cast %swap3A_410 : vector<1x1x16xf32> to vector<16xf32>
        %swap3A_412 = vector.shape_cast %mul3A_405 : vector<16xf32> to vector<1x1x16xf32>
        tpu.vector_store %arg6[%swap3A_407, %swap3A_408, %swap3A_409], %swap3A_412 {strides = array<i32>} : memref<4x50x128xf32, #tpu.memory_space<vmem>>, vector<1x1x16xf32>,
        %get3A_413 = arith.constant 1 : i32
        %get3A_414 = arith.index_cast %get3A_413 : i32 to index
        %get3A_415 = arith.index_cast %scan3A_270 : i32 to index
        %get3A_416 = arith.constant 16 : index
        %get3A_417 = tpu.vector_load %arg6[%get3A_414, %get3A_415, %get3A_416] {strides = array<i32>} : memref<4x50x128xf32, #tpu.memory_space<vmem>>, vector<1x1x16xf32>,
        %get3A_418 = vector.shape_cast %get3A_417 : vector<1x1x16xf32> to vector<16xf32>
        %mul3A_419 = arith.constant 11.3137083 : f32
        %mul3A_420 = vector.broadcast %mul3A_419 : f32 to vector<16xf32>
        %mul3A_421 = arith.mulf %get3A_418, %mul3A_420 : vector<16xf32>
        %swap3A_422 = arith.constant 1 : i32
        %swap3A_423 = arith.index_cast %swap3A_422 : i32 to index
        %swap3A_424 = arith.index_cast %scan3A_270 : i32 to index
        %swap3A_425 = arith.constant 16 : index
        %swap3A_426 = tpu.vector_load %arg6[%swap3A_423, %swap3A_424, %swap3A_425] {strides = array<i32>} : memref<4x50x128xf32, #tpu.memory_space<vmem>>, vector<1x1x16xf32>,
        %swap3A_427 = vector.shape_cast %swap3A_426 : vector<1x1x16xf32> to vector<16xf32>
        %swap3A_428 = vector.shape_cast %mul3A_421 : vector<16xf32> to vector<1x1x16xf32>
        tpu.vector_store %arg6[%swap3A_423, %swap3A_424, %swap3A_425], %swap3A_428 {strides = array<i32>} : memref<4x50x128xf32, #tpu.memory_space<vmem>>, vector<1x1x16xf32>,
        %get3A_429 = arith.constant 1 : i32
        %get3A_430 = arith.index_cast %get3A_429 : i32 to index
        %get3A_431 = arith.index_cast %scan3A_270 : i32 to index
        %get3A_432 = arith.constant 32 : index
        %get3A_433 = tpu.vector_load %arg6[%get3A_430, %get3A_431, %get3A_432] {strides = array<i32>} : memref<4x50x128xf32, #tpu.memory_space<vmem>>, vector<1x1x16xf32>,
        %get3A_434 = vector.shape_cast %get3A_433 : vector<1x1x16xf32> to vector<16xf32>
        %mul3A_435 = arith.constant 11.3137083 : f32
        %mul3A_436 = vector.broadcast %mul3A_435 : f32 to vector<16xf32>
        %mul3A_437 = arith.mulf %get3A_434, %mul3A_436 : vector<16xf32>
        %swap3A_438 = arith.constant 1 : i32
        %swap3A_439 = arith.index_cast %swap3A_438 : i32 to index
        %swap3A_440 = arith.index_cast %scan3A_270 : i32 to index
        %swap3A_441 = arith.constant 32 : index
        %swap3A_442 = tpu.vector_load %arg6[%swap3A_439, %swap3A_440, %swap3A_441] {strides = array<i32>} : memref<4x50x128xf32, #tpu.memory_space<vmem>>, vector<1x1x16xf32>,
        %swap3A_443 = vector.shape_cast %swap3A_442 : vector<1x1x16xf32> to vector<16xf32>
        %swap3A_444 = vector.shape_cast %mul3A_437 : vector<16xf32> to vector<1x1x16xf32>
        tpu.vector_store %arg6[%swap3A_439, %swap3A_440, %swap3A_441], %swap3A_444 {strides = array<i32>} : memref<4x50x128xf32, #tpu.memory_space<vmem>>, vector<1x1x16xf32>,
        %get3A_445 = arith.constant 1 : i32
        %get3A_446 = arith.index_cast %get3A_445 : i32 to index
        %get3A_447 = arith.index_cast %scan3A_270 : i32 to index
        %get3A_448 = arith.constant 48 : index
        %get3A_449 = tpu.vector_load %arg6[%get3A_446, %get3A_447, %get3A_448] {strides = array<i32>} : memref<4x50x128xf32, #tpu.memory_space<vmem>>, vector<1x1x16xf32>,
        %get3A_450 = vector.shape_cast %get3A_449 : vector<1x1x16xf32> to vector<16xf32>
        %mul3A_451 = arith.constant 11.3137083 : f32
        %mul3A_452 = vector.broadcast %mul3A_451 : f32 to vector<16xf32>
        %mul3A_453 = arith.mulf %get3A_450, %mul3A_452 : vector<16xf32>
        %swap3A_454 = arith.constant 1 : i32
        %swap3A_455 = arith.index_cast %swap3A_454 : i32 to index
        %swap3A_456 = arith.index_cast %scan3A_270 : i32 to index
        %swap3A_457 = arith.constant 48 : index
        %swap3A_458 = tpu.vector_load %arg6[%swap3A_455, %swap3A_456, %swap3A_457] {strides = array<i32>} : memref<4x50x128xf32, #tpu.memory_space<vmem>>, vector<1x1x16xf32>,
        %swap3A_459 = vector.shape_cast %swap3A_458 : vector<1x1x16xf32> to vector<16xf32>
        %swap3A_460 = vector.shape_cast %mul3A_453 : vector<16xf32> to vector<1x1x16xf32>
        tpu.vector_store %arg6[%swap3A_455, %swap3A_456, %swap3A_457], %swap3A_460 {strides = array<i32>} : memref<4x50x128xf32, #tpu.memory_space<vmem>>, vector<1x1x16xf32>,
        %get3A_461 = arith.constant 1 : i32
        %get3A_462 = arith.index_cast %get3A_461 : i32 to index
        %get3A_463 = arith.index_cast %scan3A_270 : i32 to index
        %get3A_464 = arith.constant 64 : index
        %get3A_465 = tpu.vector_load %arg6[%get3A_462, %get3A_463, %get3A_464] {strides = array<i32>} : memref<4x50x128xf32, #tpu.memory_space<vmem>>, vector<1x1x16xf32>,
        %get3A_466 = vector.shape_cast %get3A_465 : vector<1x1x16xf32> to vector<16xf32>
        %mul3A_467 = arith.constant 11.3137083 : f32
        %mul3A_468 = vector.broadcast %mul3A_467 : f32 to vector<16xf32>
        %mul3A_469 = arith.mulf %get3A_466, %mul3A_468 : vector<16xf32>
        %swap3A_470 = arith.constant 1 : i32
        %swap3A_471 = arith.index_cast %swap3A_470 : i32 to index
        %swap3A_472 = arith.index_cast %scan3A_270 : i32 to index
        %swap3A_473 = arith.constant 64 : index
        %swap3A_474 = tpu.vector_load %arg6[%swap3A_471, %swap3A_472, %swap3A_473] {strides = array<i32>} : memref<4x50x128xf32, #tpu.memory_space<vmem>>, vector<1x1x16xf32>,
        %swap3A_475 = vector.shape_cast %swap3A_474 : vector<1x1x16xf32> to vector<16xf32>
        %swap3A_476 = vector.shape_cast %mul3A_469 : vector<16xf32> to vector<1x1x16xf32>
        tpu.vector_store %arg6[%swap3A_471, %swap3A_472, %swap3A_473], %swap3A_476 {strides = array<i32>} : memref<4x50x128xf32, #tpu.memory_space<vmem>>, vector<1x1x16xf32>,
        %get3A_477 = arith.constant 1 : i32
        %get3A_478 = arith.index_cast %get3A_477 : i32 to index
        %get3A_479 = arith.index_cast %scan3A_270 : i32 to index
        %get3A_480 = arith.constant 80 : index
        %get3A_481 = tpu.vector_load %arg6[%get3A_478, %get3A_479, %get3A_480] {strides = array<i32>} : memref<4x50x128xf32, #tpu.memory_space<vmem>>, vector<1x1x16xf32>,
        %get3A_482 = vector.shape_cast %get3A_481 : vector<1x1x16xf32> to vector<16xf32>
        %mul3A_483 = arith.constant 11.3137083 : f32
        %mul3A_484 = vector.broadcast %mul3A_483 : f32 to vector<16xf32>
        %mul3A_485 = arith.mulf %get3A_482, %mul3A_484 : vector<16xf32>
        %swap3A_486 = arith.constant 1 : i32
        %swap3A_487 = arith.index_cast %swap3A_486 : i32 to index
        %swap3A_488 = arith.index_cast %scan3A_270 : i32 to index
        %swap3A_489 = arith.constant 80 : index
        %swap3A_490 = tpu.vector_load %arg6[%swap3A_487, %swap3A_488, %swap3A_489] {strides = array<i32>} : memref<4x50x128xf32, #tpu.memory_space<vmem>>, vector<1x1x16xf32>,
        %swap3A_491 = vector.shape_cast %swap3A_490 : vector<1x1x16xf32> to vector<16xf32>
        %swap3A_492 = vector.shape_cast %mul3A_485 : vector<16xf32> to vector<1x1x16xf32>
        tpu.vector_store %arg6[%swap3A_487, %swap3A_488, %swap3A_489], %swap3A_492 {strides = array<i32>} : memref<4x50x128xf32, #tpu.memory_space<vmem>>, vector<1x1x16xf32>,
        %get3A_493 = arith.constant 1 : i32
        %get3A_494 = arith.index_cast %get3A_493 : i32 to index
        %get3A_495 = arith.index_cast %scan3A_270 : i32 to index
        %get3A_496 = arith.constant 96 : index
        %get3A_497 = tpu.vector_load %arg6[%get3A_494, %get3A_495, %get3A_496] {strides = array<i32>} : memref<4x50x128xf32, #tpu.memory_space<vmem>>, vector<1x1x16xf32>,
        %get3A_498 = vector.shape_cast %get3A_497 : vector<1x1x16xf32> to vector<16xf32>
        %mul3A_499 = arith.constant 11.3137083 : f32
        %mul3A_500 = vector.broadcast %mul3A_499 : f32 to vector<16xf32>
        %mul3A_501 = arith.mulf %get3A_498, %mul3A_500 : vector<16xf32>
        %swap3A_502 = arith.constant 1 : i32
        %swap3A_503 = arith.index_cast %swap3A_502 : i32 to index
        %swap3A_504 = arith.index_cast %scan3A_270 : i32 to index
        %swap3A_505 = arith.constant 96 : index
        %swap3A_506 = tpu.vector_load %arg6[%swap3A_503, %swap3A_504, %swap3A_505] {strides = array<i32>} : memref<4x50x128xf32, #tpu.memory_space<vmem>>, vector<1x1x16xf32>,
        %swap3A_507 = vector.shape_cast %swap3A_506 : vector<1x1x16xf32> to vector<16xf32>
        %swap3A_508 = vector.shape_cast %mul3A_501 : vector<16xf32> to vector<1x1x16xf32>
        tpu.vector_store %arg6[%swap3A_503, %swap3A_504, %swap3A_505], %swap3A_508 {strides = array<i32>} : memref<4x50x128xf32, #tpu.memory_space<vmem>>, vector<1x1x16xf32>,
        %get3A_509 = arith.constant 1 : i32
        %get3A_510 = arith.index_cast %get3A_509 : i32 to index
        %get3A_511 = arith.index_cast %scan3A_270 : i32 to index
        %get3A_512 = arith.constant 112 : index
        %get3A_513 = tpu.vector_load %arg6[%get3A_510, %get3A_511, %get3A_512] {strides = array<i32>} : memref<4x50x128xf32, #tpu.memory_space<vmem>>, vector<1x1x16xf32>,
        %get3A_514 = vector.shape_cast %get3A_513 : vector<1x1x16xf32> to vector<16xf32>
        %mul3A_515 = arith.constant 11.3137083 : f32
        %mul3A_516 = vector.broadcast %mul3A_515 : f32 to vector<16xf32>
        %mul3A_517 = arith.mulf %get3A_514, %mul3A_516 : vector<16xf32>
        %swap3A_518 = arith.constant 1 : i32
        %swap3A_519 = arith.index_cast %swap3A_518 : i32 to index
        %swap3A_520 = arith.index_cast %scan3A_270 : i32 to index
        %swap3A_521 = arith.constant 112 : index
        %swap3A_522 = tpu.vector_load %arg6[%swap3A_519, %swap3A_520, %swap3A_521] {strides = array<i32>} : memref<4x50x128xf32, #tpu.memory_space<vmem>>, vector<1x1x16xf32>,
        %swap3A_523 = vector.shape_cast %swap3A_522 : vector<1x1x16xf32> to vector<16xf32>
        %swap3A_524 = vector.shape_cast %mul3A_517 : vector<16xf32> to vector<1x1x16xf32>
        tpu.vector_store %arg6[%swap3A_519, %swap3A_520, %swap3A_521], %swap3A_524 {strides = array<i32>} : memref<4x50x128xf32, #tpu.memory_space<vmem>>, vector<1x1x16xf32>,
        %get3A_525 = arith.constant 2 : i32
        %get3A_526 = arith.index_cast %get3A_525 : i32 to index
        %get3A_527 = arith.index_cast %scan3A_270 : i32 to index
        %get3A_528 = arith.constant 0 : index
        %get3A_529 = tpu.vector_load %arg6[%get3A_526, %get3A_527, %get3A_528] {strides = array<i32>} : memref<4x50x128xf32, #tpu.memory_space<vmem>>, vector<1x1x16xf32>,
        %get3A_530 = vector.shape_cast %get3A_529 : vector<1x1x16xf32> to vector<16xf32>
        %mul3A_531 = arith.constant 11.3137083 : f32
        %mul3A_532 = vector.broadcast %mul3A_531 : f32 to vector<16xf32>
        %mul3A_533 = arith.mulf %get3A_530, %mul3A_532 : vector<16xf32>
        %swap3A_534 = arith.constant 2 : i32
        %swap3A_535 = arith.index_cast %swap3A_534 : i32 to index
        %swap3A_536 = arith.index_cast %scan3A_270 : i32 to index
        %swap3A_537 = arith.constant 0 : index
        %swap3A_538 = tpu.vector_load %arg6[%swap3A_535, %swap3A_536, %swap3A_537] {strides = array<i32>} : memref<4x50x128xf32, #tpu.memory_space<vmem>>, vector<1x1x16xf32>,
        %swap3A_539 = vector.shape_cast %swap3A_538 : vector<1x1x16xf32> to vector<16xf32>
        %swap3A_540 = vector.shape_cast %mul3A_533 : vector<16xf32> to vector<1x1x16xf32>
        tpu.vector_store %arg6[%swap3A_535, %swap3A_536, %swap3A_537], %swap3A_540 {strides = array<i32>} : memref<4x50x128xf32, #tpu.memory_space<vmem>>, vector<1x1x16xf32>,
        %get3A_541 = arith.constant 2 : i32
        %get3A_542 = arith.index_cast %get3A_541 : i32 to index
        %get3A_543 = arith.index_cast %scan3A_270 : i32 to index
        %get3A_544 = arith.constant 16 : index
        %get3A_545 = tpu.vector_load %arg6[%get3A_542, %get3A_543, %get3A_544] {strides = array<i32>} : memref<4x50x128xf32, #tpu.memory_space<vmem>>, vector<1x1x16xf32>,
        %get3A_546 = vector.shape_cast %get3A_545 : vector<1x1x16xf32> to vector<16xf32>
        %mul3A_547 = arith.constant 11.3137083 : f32
        %mul3A_548 = vector.broadcast %mul3A_547 : f32 to vector<16xf32>
        %mul3A_549 = arith.mulf %get3A_546, %mul3A_548 : vector<16xf32>
        %swap3A_550 = arith.constant 2 : i32
        %swap3A_551 = arith.index_cast %swap3A_550 : i32 to index
        %swap3A_552 = arith.index_cast %scan3A_270 : i32 to index
        %swap3A_553 = arith.constant 16 : index
        %swap3A_554 = tpu.vector_load %arg6[%swap3A_551, %swap3A_552, %swap3A_553] {strides = array<i32>} : memref<4x50x128xf32, #tpu.memory_space<vmem>>, vector<1x1x16xf32>,
        %swap3A_555 = vector.shape_cast %swap3A_554 : vector<1x1x16xf32> to vector<16xf32>
        %swap3A_556 = vector.shape_cast %mul3A_549 : vector<16xf32> to vector<1x1x16xf32>
        tpu.vector_store %arg6[%swap3A_551, %swap3A_552, %swap3A_553], %swap3A_556 {strides = array<i32>} : memref<4x50x128xf32, #tpu.memory_space<vmem>>, vector<1x1x16xf32>,
        %get3A_557 = arith.constant 2 : i32
        %get3A_558 = arith.index_cast %get3A_557 : i32 to index
        %get3A_559 = arith.index_cast %scan3A_270 : i32 to index
        %get3A_560 = arith.constant 32 : index
        %get3A_561 = tpu.vector_load %arg6[%get3A_558, %get3A_559, %get3A_560] {strides = array<i32>} : memref<4x50x128xf32, #tpu.memory_space<vmem>>, vector<1x1x16xf32>,
        %get3A_562 = vector.shape_cast %get3A_561 : vector<1x1x16xf32> to vector<16xf32>
        %mul3A_563 = arith.constant 11.3137083 : f32
        %mul3A_564 = vector.broadcast %mul3A_563 : f32 to vector<16xf32>
        %mul3A_565 = arith.mulf %get3A_562, %mul3A_564 : vector<16xf32>
        %swap3A_566 = arith.constant 2 : i32
        %swap3A_567 = arith.index_cast %swap3A_566 : i32 to index
        %swap3A_568 = arith.index_cast %scan3A_270 : i32 to index
        %swap3A_569 = arith.constant 32 : index
        %swap3A_570 = tpu.vector_load %arg6[%swap3A_567, %swap3A_568, %swap3A_569] {strides = array<i32>} : memref<4x50x128xf32, #tpu.memory_space<vmem>>, vector<1x1x16xf32>,
        %swap3A_571 = vector.shape_cast %swap3A_570 : vector<1x1x16xf32> to vector<16xf32>
        %swap3A_572 = vector.shape_cast %mul3A_565 : vector<16xf32> to vector<1x1x16xf32>
        tpu.vector_store %arg6[%swap3A_567, %swap3A_568, %swap3A_569], %swap3A_572 {strides = array<i32>} : memref<4x50x128xf32, #tpu.memory_space<vmem>>, vector<1x1x16xf32>,
        %get3A_573 = arith.constant 2 : i32
        %get3A_574 = arith.index_cast %get3A_573 : i32 to index
        %get3A_575 = arith.index_cast %scan3A_270 : i32 to index
        %get3A_576 = arith.constant 48 : index
        %get3A_577 = tpu.vector_load %arg6[%get3A_574, %get3A_575, %get3A_576] {strides = array<i32>} : memref<4x50x128xf32, #tpu.memory_space<vmem>>, vector<1x1x16xf32>,
        %get3A_578 = vector.shape_cast %get3A_577 : vector<1x1x16xf32> to vector<16xf32>
        %mul3A_579 = arith.constant 11.3137083 : f32
        %mul3A_580 = vector.broadcast %mul3A_579 : f32 to vector<16xf32>
        %mul3A_581 = arith.mulf %get3A_578, %mul3A_580 : vector<16xf32>
        %swap3A_582 = arith.constant 2 : i32
        %swap3A_583 = arith.index_cast %swap3A_582 : i32 to index
        %swap3A_584 = arith.index_cast %scan3A_270 : i32 to index
        %swap3A_585 = arith.constant 48 : index
        %swap3A_586 = tpu.vector_load %arg6[%swap3A_583, %swap3A_584, %swap3A_585] {strides = array<i32>} : memref<4x50x128xf32, #tpu.memory_space<vmem>>, vector<1x1x16xf32>,
        %swap3A_587 = vector.shape_cast %swap3A_586 : vector<1x1x16xf32> to vector<16xf32>
        %swap3A_588 = vector.shape_cast %mul3A_581 : vector<16xf32> to vector<1x1x16xf32>
        tpu.vector_store %arg6[%swap3A_583, %swap3A_584, %swap3A_585], %swap3A_588 {strides = array<i32>} : memref<4x50x128xf32, #tpu.memory_space<vmem>>, vector<1x1x16xf32>,
        %get3A_589 = arith.constant 2 : i32
        %get3A_590 = arith.index_cast %get3A_589 : i32 to index
        %get3A_591 = arith.index_cast %scan3A_270 : i32 to index
        %get3A_592 = arith.constant 64 : index
        %get3A_593 = tpu.vector_load %arg6[%get3A_590, %get3A_591, %get3A_592] {strides = array<i32>} : memref<4x50x128xf32, #tpu.memory_space<vmem>>, vector<1x1x16xf32>,
        %get3A_594 = vector.shape_cast %get3A_593 : vector<1x1x16xf32> to vector<16xf32>
        %mul3A_595 = arith.constant 11.3137083 : f32
        %mul3A_596 = vector.broadcast %mul3A_595 : f32 to vector<16xf32>
        %mul3A_597 = arith.mulf %get3A_594, %mul3A_596 : vector<16xf32>
        %swap3A_598 = arith.constant 2 : i32
        %swap3A_599 = arith.index_cast %swap3A_598 : i32 to index
        %swap3A_600 = arith.index_cast %scan3A_270 : i32 to index
        %swap3A_601 = arith.constant 64 : index
        %swap3A_602 = tpu.vector_load %arg6[%swap3A_599, %swap3A_600, %swap3A_601] {strides = array<i32>} : memref<4x50x128xf32, #tpu.memory_space<vmem>>, vector<1x1x16xf32>,
        %swap3A_603 = vector.shape_cast %swap3A_602 : vector<1x1x16xf32> to vector<16xf32>
        %swap3A_604 = vector.shape_cast %mul3A_597 : vector<16xf32> to vector<1x1x16xf32>
        tpu.vector_store %arg6[%swap3A_599, %swap3A_600, %swap3A_601], %swap3A_604 {strides = array<i32>} : memref<4x50x128xf32, #tpu.memory_space<vmem>>, vector<1x1x16xf32>,
        %get3A_605 = arith.constant 2 : i32
        %get3A_606 = arith.index_cast %get3A_605 : i32 to index
        %get3A_607 = arith.index_cast %scan3A_270 : i32 to index
        %get3A_608 = arith.constant 80 : index
        %get3A_609 = tpu.vector_load %arg6[%get3A_606, %get3A_607, %get3A_608] {strides = array<i32>} : memref<4x50x128xf32, #tpu.memory_space<vmem>>, vector<1x1x16xf32>,
        %get3A_610 = vector.shape_cast %get3A_609 : vector<1x1x16xf32> to vector<16xf32>
        %mul3A_611 = arith.constant 11.3137083 : f32
        %mul3A_612 = vector.broadcast %mul3A_611 : f32 to vector<16xf32>
        %mul3A_613 = arith.mulf %get3A_610, %mul3A_612 : vector<16xf32>
        %swap3A_614 = arith.constant 2 : i32
        %swap3A_615 = arith.index_cast %swap3A_614 : i32 to index
        %swap3A_616 = arith.index_cast %scan3A_270 : i32 to index
        %swap3A_617 = arith.constant 80 : index
        %swap3A_618 = tpu.vector_load %arg6[%swap3A_615, %swap3A_616, %swap3A_617] {strides = array<i32>} : memref<4x50x128xf32, #tpu.memory_space<vmem>>, vector<1x1x16xf32>,
        %swap3A_619 = vector.shape_cast %swap3A_618 : vector<1x1x16xf32> to vector<16xf32>
        %swap3A_620 = vector.shape_cast %mul3A_613 : vector<16xf32> to vector<1x1x16xf32>
        tpu.vector_store %arg6[%swap3A_615, %swap3A_616, %swap3A_617], %swap3A_620 {strides = array<i32>} : memref<4x50x128xf32, #tpu.memory_space<vmem>>, vector<1x1x16xf32>,
        %get3A_621 = arith.constant 2 : i32
        %get3A_622 = arith.index_cast %get3A_621 : i32 to index
        %get3A_623 = arith.index_cast %scan3A_270 : i32 to index
        %get3A_624 = arith.constant 96 : index
        %get3A_625 = tpu.vector_load %arg6[%get3A_622, %get3A_623, %get3A_624] {strides = array<i32>} : memref<4x50x128xf32, #tpu.memory_space<vmem>>, vector<1x1x16xf32>,
        %get3A_626 = vector.shape_cast %get3A_625 : vector<1x1x16xf32> to vector<16xf32>
        %mul3A_627 = arith.constant 11.3137083 : f32
        %mul3A_628 = vector.broadcast %mul3A_627 : f32 to vector<16xf32>
        %mul3A_629 = arith.mulf %get3A_626, %mul3A_628 : vector<16xf32>
        %swap3A_630 = arith.constant 2 : i32
        %swap3A_631 = arith.index_cast %swap3A_630 : i32 to index
        %swap3A_632 = arith.index_cast %scan3A_270 : i32 to index
        %swap3A_633 = arith.constant 96 : index
        %swap3A_634 = tpu.vector_load %arg6[%swap3A_631, %swap3A_632, %swap3A_633] {strides = array<i32>} : memref<4x50x128xf32, #tpu.memory_space<vmem>>, vector<1x1x16xf32>,
        %swap3A_635 = vector.shape_cast %swap3A_634 : vector<1x1x16xf32> to vector<16xf32>
        %swap3A_636 = vector.shape_cast %mul3A_629 : vector<16xf32> to vector<1x1x16xf32>
        tpu.vector_store %arg6[%swap3A_631, %swap3A_632, %swap3A_633], %swap3A_636 {strides = array<i32>} : memref<4x50x128xf32, #tpu.memory_space<vmem>>, vector<1x1x16xf32>,
        %get3A_637 = arith.constant 2 : i32
        %get3A_638 = arith.index_cast %get3A_637 : i32 to index
        %get3A_639 = arith.index_cast %scan3A_270 : i32 to index
        %get3A_640 = arith.constant 112 : index
        %get3A_641 = tpu.vector_load %arg6[%get3A_638, %get3A_639, %get3A_640] {strides = array<i32>} : memref<4x50x128xf32, #tpu.memory_space<vmem>>, vector<1x1x16xf32>,
        %get3A_642 = vector.shape_cast %get3A_641 : vector<1x1x16xf32> to vector<16xf32>
        %mul3A_643 = arith.constant 11.3137083 : f32
        %mul3A_644 = vector.broadcast %mul3A_643 : f32 to vector<16xf32>
        %mul3A_645 = arith.mulf %get3A_642, %mul3A_644 : vector<16xf32>
        %swap3A_646 = arith.constant 2 : i32
        %swap3A_647 = arith.index_cast %swap3A_646 : i32 to index
        %swap3A_648 = arith.index_cast %scan3A_270 : i32 to index
        %swap3A_649 = arith.constant 112 : index
        %swap3A_650 = tpu.vector_load %arg6[%swap3A_647, %swap3A_648, %swap3A_649] {strides = array<i32>} : memref<4x50x128xf32, #tpu.memory_space<vmem>>, vector<1x1x16xf32>,
        %swap3A_651 = vector.shape_cast %swap3A_650 : vector<1x1x16xf32> to vector<16xf32>
        %swap3A_652 = vector.shape_cast %mul3A_645 : vector<16xf32> to vector<1x1x16xf32>
        tpu.vector_store %arg6[%swap3A_647, %swap3A_648, %swap3A_649], %swap3A_652 {strides = array<i32>} : memref<4x50x128xf32, #tpu.memory_space<vmem>>, vector<1x1x16xf32>,
        %get3A_653 = arith.constant 3 : i32
        %get3A_654 = arith.index_cast %get3A_653 : i32 to index
        %get3A_655 = arith.index_cast %scan3A_270 : i32 to index
        %get3A_656 = arith.constant 0 : index
        %get3A_657 = tpu.vector_load %arg6[%get3A_654, %get3A_655, %get3A_656] {strides = array<i32>} : memref<4x50x128xf32, #tpu.memory_space<vmem>>, vector<1x1x16xf32>,
        %get3A_658 = vector.shape_cast %get3A_657 : vector<1x1x16xf32> to vector<16xf32>
        %mul3A_659 = arith.constant 11.3137083 : f32
        %mul3A_660 = vector.broadcast %mul3A_659 : f32 to vector<16xf32>
        %mul3A_661 = arith.mulf %get3A_658, %mul3A_660 : vector<16xf32>
        %swap3A_662 = arith.constant 3 : i32
        %swap3A_663 = arith.index_cast %swap3A_662 : i32 to index
        %swap3A_664 = arith.index_cast %scan3A_270 : i32 to index
        %swap3A_665 = arith.constant 0 : index
        %swap3A_666 = tpu.vector_load %arg6[%swap3A_663, %swap3A_664, %swap3A_665] {strides = array<i32>} : memref<4x50x128xf32, #tpu.memory_space<vmem>>, vector<1x1x16xf32>,
        %swap3A_667 = vector.shape_cast %swap3A_666 : vector<1x1x16xf32> to vector<16xf32>
        %swap3A_668 = vector.shape_cast %mul3A_661 : vector<16xf32> to vector<1x1x16xf32>
        tpu.vector_store %arg6[%swap3A_663, %swap3A_664, %swap3A_665], %swap3A_668 {strides = array<i32>} : memref<4x50x128xf32, #tpu.memory_space<vmem>>, vector<1x1x16xf32>,
        %get3A_669 = arith.constant 3 : i32
        %get3A_670 = arith.index_cast %get3A_669 : i32 to index
        %get3A_671 = arith.index_cast %scan3A_270 : i32 to index
        %get3A_672 = arith.constant 16 : index
        %get3A_673 = tpu.vector_load %arg6[%get3A_670, %get3A_671, %get3A_672] {strides = array<i32>} : memref<4x50x128xf32, #tpu.memory_space<vmem>>, vector<1x1x16xf32>,
        %get3A_674 = vector.shape_cast %get3A_673 : vector<1x1x16xf32> to vector<16xf32>
        %mul3A_675 = arith.constant 11.3137083 : f32
        %mul3A_676 = vector.broadcast %mul3A_675 : f32 to vector<16xf32>
        %mul3A_677 = arith.mulf %get3A_674, %mul3A_676 : vector<16xf32>
        %swap3A_678 = arith.constant 3 : i32
        %swap3A_679 = arith.index_cast %swap3A_678 : i32 to index
        %swap3A_680 = arith.index_cast %scan3A_270 : i32 to index
        %swap3A_681 = arith.constant 16 : index
        %swap3A_682 = tpu.vector_load %arg6[%swap3A_679, %swap3A_680, %swap3A_681] {strides = array<i32>} : memref<4x50x128xf32, #tpu.memory_space<vmem>>, vector<1x1x16xf32>,
        %swap3A_683 = vector.shape_cast %swap3A_682 : vector<1x1x16xf32> to vector<16xf32>
        %swap3A_684 = vector.shape_cast %mul3A_677 : vector<16xf32> to vector<1x1x16xf32>
        tpu.vector_store %arg6[%swap3A_679, %swap3A_680, %swap3A_681], %swap3A_684 {strides = array<i32>} : memref<4x50x128xf32, #tpu.memory_space<vmem>>, vector<1x1x16xf32>,
        %get3A_685 = arith.constant 3 : i32
        %get3A_686 = arith.index_cast %get3A_685 : i32 to index
        %get3A_687 = arith.index_cast %scan3A_270 : i32 to index
        %get3A_688 = arith.constant 32 : index
        %get3A_689 = tpu.vector_load %arg6[%get3A_686, %get3A_687, %get3A_688] {strides = array<i32>} : memref<4x50x128xf32, #tpu.memory_space<vmem>>, vector<1x1x16xf32>,
        %get3A_690 = vector.shape_cast %get3A_689 : vector<1x1x16xf32> to vector<16xf32>
        %mul3A_691 = arith.constant 11.3137083 : f32
        %mul3A_692 = vector.broadcast %mul3A_691 : f32 to vector<16xf32>
        %mul3A_693 = arith.mulf %get3A_690, %mul3A_692 : vector<16xf32>
        %swap3A_694 = arith.constant 3 : i32
        %swap3A_695 = arith.index_cast %swap3A_694 : i32 to index
        %swap3A_696 = arith.index_cast %scan3A_270 : i32 to index
        %swap3A_697 = arith.constant 32 : index
        %swap3A_698 = tpu.vector_load %arg6[%swap3A_695, %swap3A_696, %swap3A_697] {strides = array<i32>} : memref<4x50x128xf32, #tpu.memory_space<vmem>>, vector<1x1x16xf32>,
        %swap3A_699 = vector.shape_cast %swap3A_698 : vector<1x1x16xf32> to vector<16xf32>
        %swap3A_700 = vector.shape_cast %mul3A_693 : vector<16xf32> to vector<1x1x16xf32>
        tpu.vector_store %arg6[%swap3A_695, %swap3A_696, %swap3A_697], %swap3A_700 {strides = array<i32>} : memref<4x50x128xf32, #tpu.memory_space<vmem>>, vector<1x1x16xf32>,
        %get3A_701 = arith.constant 3 : i32
        %get3A_702 = arith.index_cast %get3A_701 : i32 to index
        %get3A_703 = arith.index_cast %scan3A_270 : i32 to index
        %get3A_704 = arith.constant 48 : index
        %get3A_705 = tpu.vector_load %arg6[%get3A_702, %get3A_703, %get3A_704] {strides = array<i32>} : memref<4x50x128xf32, #tpu.memory_space<vmem>>, vector<1x1x16xf32>,
        %get3A_706 = vector.shape_cast %get3A_705 : vector<1x1x16xf32> to vector<16xf32>
        %mul3A_707 = arith.constant 11.3137083 : f32
        %mul3A_708 = vector.broadcast %mul3A_707 : f32 to vector<16xf32>
        %mul3A_709 = arith.mulf %get3A_706, %mul3A_708 : vector<16xf32>
        %swap3A_710 = arith.constant 3 : i32
        %swap3A_711 = arith.index_cast %swap3A_710 : i32 to index
        %swap3A_712 = arith.index_cast %scan3A_270 : i32 to index
        %swap3A_713 = arith.constant 48 : index
        %swap3A_714 = tpu.vector_load %arg6[%swap3A_711, %swap3A_712, %swap3A_713] {strides = array<i32>} : memref<4x50x128xf32, #tpu.memory_space<vmem>>, vector<1x1x16xf32>,
        %swap3A_715 = vector.shape_cast %swap3A_714 : vector<1x1x16xf32> to vector<16xf32>
        %swap3A_716 = vector.shape_cast %mul3A_709 : vector<16xf32> to vector<1x1x16xf32>
        tpu.vector_store %arg6[%swap3A_711, %swap3A_712, %swap3A_713], %swap3A_716 {strides = array<i32>} : memref<4x50x128xf32, #tpu.memory_space<vmem>>, vector<1x1x16xf32>,
        %get3A_717 = arith.constant 3 : i32
        %get3A_718 = arith.index_cast %get3A_717 : i32 to index
        %get3A_719 = arith.index_cast %scan3A_270 : i32 to index
        %get3A_720 = arith.constant 64 : index
        %get3A_721 = tpu.vector_load %arg6[%get3A_718, %get3A_719, %get3A_720] {strides = array<i32>} : memref<4x50x128xf32, #tpu.memory_space<vmem>>, vector<1x1x16xf32>,
        %get3A_722 = vector.shape_cast %get3A_721 : vector<1x1x16xf32> to vector<16xf32>
        %mul3A_723 = arith.constant 11.3137083 : f32
        %mul3A_724 = vector.broadcast %mul3A_723 : f32 to vector<16xf32>
        %mul3A_725 = arith.mulf %get3A_722, %mul3A_724 : vector<16xf32>
        %swap3A_726 = arith.constant 3 : i32
        %swap3A_727 = arith.index_cast %swap3A_726 : i32 to index
        %swap3A_728 = arith.index_cast %scan3A_270 : i32 to index
        %swap3A_729 = arith.constant 64 : index
        %swap3A_730 = tpu.vector_load %arg6[%swap3A_727, %swap3A_728, %swap3A_729] {strides = array<i32>} : memref<4x50x128xf32, #tpu.memory_space<vmem>>, vector<1x1x16xf32>,
        %swap3A_731 = vector.shape_cast %swap3A_730 : vector<1x1x16xf32> to vector<16xf32>
        %swap3A_732 = vector.shape_cast %mul3A_725 : vector<16xf32> to vector<1x1x16xf32>
        tpu.vector_store %arg6[%swap3A_727, %swap3A_728, %swap3A_729], %swap3A_732 {strides = array<i32>} : memref<4x50x128xf32, #tpu.memory_space<vmem>>, vector<1x1x16xf32>,
        %get3A_733 = arith.constant 3 : i32
        %get3A_734 = arith.index_cast %get3A_733 : i32 to index
        %get3A_735 = arith.index_cast %scan3A_270 : i32 to index
        %get3A_736 = arith.constant 80 : index
        %get3A_737 = tpu.vector_load %arg6[%get3A_734, %get3A_735, %get3A_736] {strides = array<i32>} : memref<4x50x128xf32, #tpu.memory_space<vmem>>, vector<1x1x16xf32>,
        %get3A_738 = vector.shape_cast %get3A_737 : vector<1x1x16xf32> to vector<16xf32>
        %mul3A_739 = arith.constant 11.3137083 : f32
        %mul3A_740 = vector.broadcast %mul3A_739 : f32 to vector<16xf32>
        %mul3A_741 = arith.mulf %get3A_738, %mul3A_740 : vector<16xf32>
        %swap3A_742 = arith.constant 3 : i32
        %swap3A_743 = arith.index_cast %swap3A_742 : i32 to index
        %swap3A_744 = arith.index_cast %scan3A_270 : i32 to index
        %swap3A_745 = arith.constant 80 : index
        %swap3A_746 = tpu.vector_load %arg6[%swap3A_743, %swap3A_744, %swap3A_745] {strides = array<i32>} : memref<4x50x128xf32, #tpu.memory_space<vmem>>, vector<1x1x16xf32>,
        %swap3A_747 = vector.shape_cast %swap3A_746 : vector<1x1x16xf32> to vector<16xf32>
        %swap3A_748 = vector.shape_cast %mul3A_741 : vector<16xf32> to vector<1x1x16xf32>
        tpu.vector_store %arg6[%swap3A_743, %swap3A_744, %swap3A_745], %swap3A_748 {strides = array<i32>} : memref<4x50x128xf32, #tpu.memory_space<vmem>>, vector<1x1x16xf32>,
        %get3A_749 = arith.constant 3 : i32
        %get3A_750 = arith.index_cast %get3A_749 : i32 to index
        %get3A_751 = arith.index_cast %scan3A_270 : i32 to index
        %get3A_752 = arith.constant 96 : index
        %get3A_753 = tpu.vector_load %arg6[%get3A_750, %get3A_751, %get3A_752] {strides = array<i32>} : memref<4x50x128xf32, #tpu.memory_space<vmem>>, vector<1x1x16xf32>,
        %get3A_754 = vector.shape_cast %get3A_753 : vector<1x1x16xf32> to vector<16xf32>
        %mul3A_755 = arith.constant 11.3137083 : f32
        %mul3A_756 = vector.broadcast %mul3A_755 : f32 to vector<16xf32>
        %mul3A_757 = arith.mulf %get3A_754, %mul3A_756 : vector<16xf32>
        %swap3A_758 = arith.constant 3 : i32
        %swap3A_759 = arith.index_cast %swap3A_758 : i32 to index
        %swap3A_760 = arith.index_cast %scan3A_270 : i32 to index
        %swap3A_761 = arith.constant 96 : index
        %swap3A_762 = tpu.vector_load %arg6[%swap3A_759, %swap3A_760, %swap3A_761] {strides = array<i32>} : memref<4x50x128xf32, #tpu.memory_space<vmem>>, vector<1x1x16xf32>,
        %swap3A_763 = vector.shape_cast %swap3A_762 : vector<1x1x16xf32> to vector<16xf32>
        %swap3A_764 = vector.shape_cast %mul3A_757 : vector<16xf32> to vector<1x1x16xf32>
        tpu.vector_store %arg6[%swap3A_759, %swap3A_760, %swap3A_761], %swap3A_764 {strides = array<i32>} : memref<4x50x128xf32, #tpu.memory_space<vmem>>, vector<1x1x16xf32>,
        %get3A_765 = arith.constant 3 : i32
        %get3A_766 = arith.index_cast %get3A_765 : i32 to index
        %get3A_767 = arith.index_cast %scan3A_270 : i32 to index
        %get3A_768 = arith.constant 112 : index
        %get3A_769 = tpu.vector_load %arg6[%get3A_766, %get3A_767, %get3A_768] {strides = array<i32>} : memref<4x50x128xf32, #tpu.memory_space<vmem>>, vector<1x1x16xf32>,
        %get3A_770 = vector.shape_cast %get3A_769 : vector<1x1x16xf32> to vector<16xf32>
        %mul3A_771 = arith.constant 11.3137083 : f32
        %mul3A_772 = vector.broadcast %mul3A_771 : f32 to vector<16xf32>
        %mul3A_773 = arith.mulf %get3A_770, %mul3A_772 : vector<16xf32>
        %swap3A_774 = arith.constant 3 : i32
        %swap3A_775 = arith.index_cast %swap3A_774 : i32 to index
        %swap3A_776 = arith.index_cast %scan3A_270 : i32 to index
        %swap3A_777 = arith.constant 112 : index
        %swap3A_778 = tpu.vector_load %arg6[%swap3A_775, %swap3A_776, %swap3A_777] {strides = array<i32>} : memref<4x50x128xf32, #tpu.memory_space<vmem>>, vector<1x1x16xf32>,
        %swap3A_779 = vector.shape_cast %swap3A_778 : vector<1x1x16xf32> to vector<16xf32>
        %swap3A_780 = vector.shape_cast %mul3A_773 : vector<16xf32> to vector<1x1x16xf32>
        tpu.vector_store %arg6[%swap3A_775, %swap3A_776, %swap3A_777], %swap3A_780 {strides = array<i32>} : memref<4x50x128xf32, #tpu.memory_space<vmem>>, vector<1x1x16xf32>,
      }
      %scan3A_201 = arith.constant 50 : i32
      %mul3A_202 = arith.constant 4 : i32
      %mul3A_203 = arith.muli %mul3A_21, %mul3A_202 : i32
      %add3A_204 = arith.addi %mul3A_2, %mul3A_203 : i32
      %dma_start3A_205 = arith.constant 0 : i32
      %dma_start3A_206 = arith.constant 0 : i32
      %dma_start3A_207 = tpu.memref_slice %arg4[%add3A_204, %dma_start3A_205, %dma_start3A_206] : memref<4096x50x128xf32, #tpu.memory_space<hbm>> -> memref<4x50x128xf32, #tpu.memory_space<hbm>>
      %dma_start3A_208 = arith.constant 0 : i32
      %dma_start3A_209 = arith.constant 0 : i32
      %dma_start3A_210 = tpu.memref_slice %arg4[%add3A_204, %dma_start3A_208, %dma_start3A_209] : memref<4096x50x128xf32, #tpu.memory_space<hbm>> -> memref<4x50x128xf32, #tpu.memory_space<hbm>>
      tpu.enqueue_dma source(%arg6 : memref<4x50x128xf32, #tpu.memory_space<vmem>>) target(%dma_start3A_210 : memref<4x50x128xf32, #tpu.memory_space<hbm>>) target_semaphore(%arg10 : memref<!tpu.dma_semaphore, #tpu.memory_space<semaphore_mem>>)
      %dma_wait3A_211 = arith.constant 0 : i32
      %dma_wait3A_212 = arith.constant 0 : i32
      %dma_wait3A_213 = arith.constant 0 : i32
      %dma_wait3A_214 = tpu.memref_slice %arg7[%dma_wait3A_211, %dma_wait3A_212, %dma_wait3A_213] : memref<4x50x128xf32, #tpu.memory_space<vmem>> -> memref<1x50x128xf32, #tpu.memory_space<vmem>>
      %dma_wait3A_215 = tpu.memref_squeeze %dma_wait3A_214 : memref<1x50x128xf32, #tpu.memory_space<vmem>> -> memref<50x128xf32, #tpu.memory_space<vmem>>
      %dma_wait3A_216 = arith.constant 0 : i32
      %dma_wait3A_217 = tpu.memref_slice %arg5[%add3A_95, %dma_wait3A_216] : memref<128x50xi32, #tpu.memory_space<vmem>> -> memref<1x50xi32, #tpu.memory_space<vmem>>
      %dma_wait3A_218 = tpu.memref_squeeze %dma_wait3A_217 : memref<1x50xi32, #tpu.memory_space<vmem>> -> memref<50xi32, #tpu.memory_space<vmem>>
      %dma_wait3A_219 = arith.constant 0 : i32
      %dma_wait3A_220 = arith.constant 0 : i32
      %dma_wait3A_221 = tpu.memref_slice %arg3[%dma_wait3A_219, %dma_wait3A_220] : memref<100000x128xf32, #tpu.memory_space<hbm>> -> memref<100000x128xf32, #tpu.memory_space<hbm>>
      tpu.wait_indirect_dma semaphore(%arg9 : memref<!tpu.dma_semaphore, #tpu.memory_space<semaphore_mem>>) src(%dma_wait3A_221 : memref<100000x128xf32, #tpu.memory_space<hbm>>) dst(%dma_wait3A_215 : memref<50x128xf32, #tpu.memory_space<vmem>>)
      %dma_wait3A_222 = arith.constant 1 : i32
      %dma_wait3A_223 = arith.constant 0 : i32
      %dma_wait3A_224 = arith.constant 0 : i32
      %dma_wait3A_225 = tpu.memref_slice %arg7[%dma_wait3A_222, %dma_wait3A_223, %dma_wait3A_224] : memref<4x50x128xf32, #tpu.memory_space<vmem>> -> memref<1x50x128xf32, #tpu.memory_space<vmem>>
      %dma_wait3A_226 = tpu.memref_squeeze %dma_wait3A_225 : memref<1x50x128xf32, #tpu.memory_space<vmem>> -> memref<50x128xf32, #tpu.memory_space<vmem>>
      %dma_wait3A_227 = arith.constant 0 : i32
      %dma_wait3A_228 = tpu.memref_slice %arg5[%add3A_110, %dma_wait3A_227] : memref<128x50xi32, #tpu.memory_space<vmem>> -> memref<1x50xi32, #tpu.memory_space<vmem>>
      %dma_wait3A_229 = tpu.memref_squeeze %dma_wait3A_228 : memref<1x50xi32, #tpu.memory_space<vmem>> -> memref<50xi32, #tpu.memory_space<vmem>>
      %dma_wait3A_230 = arith.constant 0 : i32
      %dma_wait3A_231 = arith.constant 0 : i32
      %dma_wait3A_232 = tpu.memref_slice %arg3[%dma_wait3A_230, %dma_wait3A_231] : memref<100000x128xf32, #tpu.memory_space<hbm>> -> memref<100000x128xf32, #tpu.memory_space<hbm>>
      tpu.wait_indirect_dma semaphore(%arg9 : memref<!tpu.dma_semaphore, #tpu.memory_space<semaphore_mem>>) src(%dma_wait3A_232 : memref<100000x128xf32, #tpu.memory_space<hbm>>) dst(%dma_wait3A_226 : memref<50x128xf32, #tpu.memory_space<vmem>>)
      %dma_wait3A_233 = arith.constant 2 : i32
      %dma_wait3A_234 = arith.constant 0 : i32
      %dma_wait3A_235 = arith.constant 0 : i32
      %dma_wait3A_236 = tpu.memref_slice %arg7[%dma_wait3A_233, %dma_wait3A_234, %dma_wait3A_235] : memref<4x50x128xf32, #tpu.memory_space<vmem>> -> memref<1x50x128xf32, #tpu.memory_space<vmem>>
      %dma_wait3A_237 = tpu.memref_squeeze %dma_wait3A_236 : memref<1x50x128xf32, #tpu.memory_space<vmem>> -> memref<50x128xf32, #tpu.memory_space<vmem>>
      %dma_wait3A_238 = arith.constant 0 : i32
      %dma_wait3A_239 = tpu.memref_slice %arg5[%add3A_125, %dma_wait3A_238] : memref<128x50xi32, #tpu.memory_space<vmem>> -> memref<1x50xi32, #tpu.memory_space<vmem>>
      %dma_wait3A_240 = tpu.memref_squeeze %dma_wait3A_239 : memref<1x50xi32, #tpu.memory_space<vmem>> -> memref<50xi32, #tpu.memory_space<vmem>>
      %dma_wait3A_241 = arith.constant 0 : i32
      %dma_wait3A_242 = arith.constant 0 : i32
      %dma_wait3A_243 = tpu.memref_slice %arg3[%dma_wait3A_241, %dma_wait3A_242] : memref<100000x128xf32, #tpu.memory_space<hbm>> -> memref<100000x128xf32, #tpu.memory_space<hbm>>
      tpu.wait_indirect_dma semaphore(%arg9 : memref<!tpu.dma_semaphore, #tpu.memory_space<semaphore_mem>>) src(%dma_wait3A_243 : memref<100000x128xf32, #tpu.memory_space<hbm>>) dst(%dma_wait3A_237 : memref<50x128xf32, #tpu.memory_space<vmem>>)
      %dma_wait3A_244 = arith.constant 3 : i32
      %dma_wait3A_245 = arith.constant 0 : i32
      %dma_wait3A_246 = arith.constant 0 : i32
      %dma_wait3A_247 = tpu.memref_slice %arg7[%dma_wait3A_244, %dma_wait3A_245, %dma_wait3A_246] : memref<4x50x128xf32, #tpu.memory_space<vmem>> -> memref<1x50x128xf32, #tpu.memory_space<vmem>>
      %dma_wait3A_248 = tpu.memref_squeeze %dma_wait3A_247 : memref<1x50x128xf32, #tpu.memory_space<vmem>> -> memref<50x128xf32, #tpu.memory_space<vmem>>
      %dma_wait3A_249 = arith.constant 0 : i32
      %dma_wait3A_250 = tpu.memref_slice %arg5[%add3A_140, %dma_wait3A_249] : memref<128x50xi32, #tpu.memory_space<vmem>> -> memref<1x50xi32, #tpu.memory_space<vmem>>
      %dma_wait3A_251 = tpu.memref_squeeze %dma_wait3A_250 : memref<1x50xi32, #tpu.memory_space<vmem>> -> memref<50xi32, #tpu.memory_space<vmem>>
      %dma_wait3A_252 = arith.constant 0 : i32
      %dma_wait3A_253 = arith.constant 0 : i32
      %dma_wait3A_254 = tpu.memref_slice %arg3[%dma_wait3A_252, %dma_wait3A_253] : memref<100000x128xf32, #tpu.memory_space<hbm>> -> memref<100000x128xf32, #tpu.memory_space<hbm>>
      tpu.wait_indirect_dma semaphore(%arg9 : memref<!tpu.dma_semaphore, #tpu.memory_space<semaphore_mem>>) src(%dma_wait3A_254 : memref<100000x128xf32, #tpu.memory_space<hbm>>) dst(%dma_wait3A_248 : memref<50x128xf32, #tpu.memory_space<vmem>>)
      %scan3A_255 = arith.constant 0 : i32
      %scan3A_256 = arith.constant 0 : i32
      %scan3A_257 = arith.constant 50 : i32
      %scan3A_258 = arith.addi %scan3A_256, %scan3A_257 : i32
      %scan3A_259 = arith.constant 1 : i32
      scf.for %scan3A_270 = %scan3A_256 to %scan3A_258 step %scan3A_259  : i32 {
        %get3A = arith.constant 0 : i32
        %get3A_271 = arith.index_cast %get3A : i32 to index
        %get3A_272 = arith.index_cast %scan3A_270 : i32 to index
        %get3A_273 = arith.constant 0 : index
        %get3A_274 = tpu.vector_load %arg7[%get3A_271, %get3A_272, %get3A_273] {strides = array<i32>} : memref<4x50x128xf32, #tpu.memory_space<vmem>>, vector<1x1x16xf32>,
        %get3A_275 = vector.shape_cast %get3A_274 : vector<1x1x16xf32> to vector<16xf32>
        %mul3A_276 = arith.constant 11.3137083 : f32
        %mul3A_277 = vector.broadcast %mul3A_276 : f32 to vector<16xf32>
        %mul3A_278 = arith.mulf %get3A_275, %mul3A_277 : vector<16xf32>
        %swap3A = arith.constant 0 : i32
        %swap3A_279 = arith.index_cast %swap3A : i32 to index
        %swap3A_280 = arith.index_cast %scan3A_270 : i32 to index
        %swap3A_281 = arith.constant 0 : index
        %swap3A_282 = tpu.vector_load %arg7[%swap3A_279, %swap3A_280, %swap3A_281] {strides = array<i32>} : memref<4x50x128xf32, #tpu.memory_space<vmem>>, vector<1x1x16xf32>,
        %swap3A_283 = vector.shape_cast %swap3A_282 : vector<1x1x16xf32> to vector<16xf32>
        %swap3A_284 = vector.shape_cast %mul3A_278 : vector<16xf32> to vector<1x1x16xf32>
        tpu.vector_store %arg7[%swap3A_279, %swap3A_280, %swap3A_281], %swap3A_284 {strides = array<i32>} : memref<4x50x128xf32, #tpu.memory_space<vmem>>, vector<1x1x16xf32>,
        %get3A_285 = arith.constant 0 : i32
        %get3A_286 = arith.index_cast %get3A_285 : i32 to index
        %get3A_287 = arith.index_cast %scan3A_270 : i32 to index
        %get3A_288 = arith.constant 16 : index
        %get3A_289 = tpu.vector_load %arg7[%get3A_286, %get3A_287, %get3A_288] {strides = array<i32>} : memref<4x50x128xf32, #tpu.memory_space<vmem>>, vector<1x1x16xf32>,
        %get3A_290 = vector.shape_cast %get3A_289 : vector<1x1x16xf32> to vector<16xf32>
        %mul3A_291 = arith.constant 11.3137083 : f32
        %mul3A_292 = vector.broadcast %mul3A_291 : f32 to vector<16xf32>
        %mul3A_293 = arith.mulf %get3A_290, %mul3A_292 : vector<16xf32>
        %swap3A_294 = arith.constant 0 : i32
        %swap3A_295 = arith.index_cast %swap3A_294 : i32 to index
        %swap3A_296 = arith.index_cast %scan3A_270 : i32 to index
        %swap3A_297 = arith.constant 16 : index
        %swap3A_298 = tpu.vector_load %arg7[%swap3A_295, %swap3A_296, %swap3A_297] {strides = array<i32>} : memref<4x50x128xf32, #tpu.memory_space<vmem>>, vector<1x1x16xf32>,
        %swap3A_299 = vector.shape_cast %swap3A_298 : vector<1x1x16xf32> to vector<16xf32>
        %swap3A_300 = vector.shape_cast %mul3A_293 : vector<16xf32> to vector<1x1x16xf32>
        tpu.vector_store %arg7[%swap3A_295, %swap3A_296, %swap3A_297], %swap3A_300 {strides = array<i32>} : memref<4x50x128xf32, #tpu.memory_space<vmem>>, vector<1x1x16xf32>,
        %get3A_301 = arith.constant 0 : i32
        %get3A_302 = arith.index_cast %get3A_301 : i32 to index
        %get3A_303 = arith.index_cast %scan3A_270 : i32 to index
        %get3A_304 = arith.constant 32 : index
        %get3A_305 = tpu.vector_load %arg7[%get3A_302, %get3A_303, %get3A_304] {strides = array<i32>} : memref<4x50x128xf32, #tpu.memory_space<vmem>>, vector<1x1x16xf32>,
        %get3A_306 = vector.shape_cast %get3A_305 : vector<1x1x16xf32> to vector<16xf32>
        %mul3A_307 = arith.constant 11.3137083 : f32
        %mul3A_308 = vector.broadcast %mul3A_307 : f32 to vector<16xf32>
        %mul3A_309 = arith.mulf %get3A_306, %mul3A_308 : vector<16xf32>
        %swap3A_310 = arith.constant 0 : i32
        %swap3A_311 = arith.index_cast %swap3A_310 : i32 to index
        %swap3A_312 = arith.index_cast %scan3A_270 : i32 to index
        %swap3A_313 = arith.constant 32 : index
        %swap3A_314 = tpu.vector_load %arg7[%swap3A_311, %swap3A_312, %swap3A_313] {strides = array<i32>} : memref<4x50x128xf32, #tpu.memory_space<vmem>>, vector<1x1x16xf32>,
        %swap3A_315 = vector.shape_cast %swap3A_314 : vector<1x1x16xf32> to vector<16xf32>
        %swap3A_316 = vector.shape_cast %mul3A_309 : vector<16xf32> to vector<1x1x16xf32>
        tpu.vector_store %arg7[%swap3A_311, %swap3A_312, %swap3A_313], %swap3A_316 {strides = array<i32>} : memref<4x50x128xf32, #tpu.memory_space<vmem>>, vector<1x1x16xf32>,
        %get3A_317 = arith.constant 0 : i32
        %get3A_318 = arith.index_cast %get3A_317 : i32 to index
        %get3A_319 = arith.index_cast %scan3A_270 : i32 to index
        %get3A_320 = arith.constant 48 : index
        %get3A_321 = tpu.vector_load %arg7[%get3A_318, %get3A_319, %get3A_320] {strides = array<i32>} : memref<4x50x128xf32, #tpu.memory_space<vmem>>, vector<1x1x16xf32>,
        %get3A_322 = vector.shape_cast %get3A_321 : vector<1x1x16xf32> to vector<16xf32>
        %mul3A_323 = arith.constant 11.3137083 : f32
        %mul3A_324 = vector.broadcast %mul3A_323 : f32 to vector<16xf32>
        %mul3A_325 = arith.mulf %get3A_322, %mul3A_324 : vector<16xf32>
        %swap3A_326 = arith.constant 0 : i32
        %swap3A_327 = arith.index_cast %swap3A_326 : i32 to index
        %swap3A_328 = arith.index_cast %scan3A_270 : i32 to index
        %swap3A_329 = arith.constant 48 : index
        %swap3A_330 = tpu.vector_load %arg7[%swap3A_327, %swap3A_328, %swap3A_329] {strides = array<i32>} : memref<4x50x128xf32, #tpu.memory_space<vmem>>, vector<1x1x16xf32>,
        %swap3A_331 = vector.shape_cast %swap3A_330 : vector<1x1x16xf32> to vector<16xf32>
        %swap3A_332 = vector.shape_cast %mul3A_325 : vector<16xf32> to vector<1x1x16xf32>
        tpu.vector_store %arg7[%swap3A_327, %swap3A_328, %swap3A_329], %swap3A_332 {strides = array<i32>} : memref<4x50x128xf32, #tpu.memory_space<vmem>>, vector<1x1x16xf32>,
        %get3A_333 = arith.constant 0 : i32
        %get3A_334 = arith.index_cast %get3A_333 : i32 to index
        %get3A_335 = arith.index_cast %scan3A_270 : i32 to index
        %get3A_336 = arith.constant 64 : index
        %get3A_337 = tpu.vector_load %arg7[%get3A_334, %get3A_335, %get3A_336] {strides = array<i32>} : memref<4x50x128xf32, #tpu.memory_space<vmem>>, vector<1x1x16xf32>,
        %get3A_338 = vector.shape_cast %get3A_337 : vector<1x1x16xf32> to vector<16xf32>
        %mul3A_339 = arith.constant 11.3137083 : f32
        %mul3A_340 = vector.broadcast %mul3A_339 : f32 to vector<16xf32>
        %mul3A_341 = arith.mulf %get3A_338, %mul3A_340 : vector<16xf32>
        %swap3A_342 = arith.constant 0 : i32
        %swap3A_343 = arith.index_cast %swap3A_342 : i32 to index
        %swap3A_344 = arith.index_cast %scan3A_270 : i32 to index
        %swap3A_345 = arith.constant 64 : index
        %swap3A_346 = tpu.vector_load %arg7[%swap3A_343, %swap3A_344, %swap3A_345] {strides = array<i32>} : memref<4x50x128xf32, #tpu.memory_space<vmem>>, vector<1x1x16xf32>,
        %swap3A_347 = vector.shape_cast %swap3A_346 : vector<1x1x16xf32> to vector<16xf32>
        %swap3A_348 = vector.shape_cast %mul3A_341 : vector<16xf32> to vector<1x1x16xf32>
        tpu.vector_store %arg7[%swap3A_343, %swap3A_344, %swap3A_345], %swap3A_348 {strides = array<i32>} : memref<4x50x128xf32, #tpu.memory_space<vmem>>, vector<1x1x16xf32>,
        %get3A_349 = arith.constant 0 : i32
        %get3A_350 = arith.index_cast %get3A_349 : i32 to index
        %get3A_351 = arith.index_cast %scan3A_270 : i32 to index
        %get3A_352 = arith.constant 80 : index
        %get3A_353 = tpu.vector_load %arg7[%get3A_350, %get3A_351, %get3A_352] {strides = array<i32>} : memref<4x50x128xf32, #tpu.memory_space<vmem>>, vector<1x1x16xf32>,
        %get3A_354 = vector.shape_cast %get3A_353 : vector<1x1x16xf32> to vector<16xf32>
        %mul3A_355 = arith.constant 11.3137083 : f32
        %mul3A_356 = vector.broadcast %mul3A_355 : f32 to vector<16xf32>
        %mul3A_357 = arith.mulf %get3A_354, %mul3A_356 : vector<16xf32>
        %swap3A_358 = arith.constant 0 : i32
        %swap3A_359 = arith.index_cast %swap3A_358 : i32 to index
        %swap3A_360 = arith.index_cast %scan3A_270 : i32 to index
        %swap3A_361 = arith.constant 80 : index
        %swap3A_362 = tpu.vector_load %arg7[%swap3A_359, %swap3A_360, %swap3A_361] {strides = array<i32>} : memref<4x50x128xf32, #tpu.memory_space<vmem>>, vector<1x1x16xf32>,
        %swap3A_363 = vector.shape_cast %swap3A_362 : vector<1x1x16xf32> to vector<16xf32>
        %swap3A_364 = vector.shape_cast %mul3A_357 : vector<16xf32> to vector<1x1x16xf32>
        tpu.vector_store %arg7[%swap3A_359, %swap3A_360, %swap3A_361], %swap3A_364 {strides = array<i32>} : memref<4x50x128xf32, #tpu.memory_space<vmem>>, vector<1x1x16xf32>,
        %get3A_365 = arith.constant 0 : i32
        %get3A_366 = arith.index_cast %get3A_365 : i32 to index
        %get3A_367 = arith.index_cast %scan3A_270 : i32 to index
        %get3A_368 = arith.constant 96 : index
        %get3A_369 = tpu.vector_load %arg7[%get3A_366, %get3A_367, %get3A_368] {strides = array<i32>} : memref<4x50x128xf32, #tpu.memory_space<vmem>>, vector<1x1x16xf32>,
        %get3A_370 = vector.shape_cast %get3A_369 : vector<1x1x16xf32> to vector<16xf32>
        %mul3A_371 = arith.constant 11.3137083 : f32
        %mul3A_372 = vector.broadcast %mul3A_371 : f32 to vector<16xf32>
        %mul3A_373 = arith.mulf %get3A_370, %mul3A_372 : vector<16xf32>
        %swap3A_374 = arith.constant 0 : i32
        %swap3A_375 = arith.index_cast %swap3A_374 : i32 to index
        %swap3A_376 = arith.index_cast %scan3A_270 : i32 to index
        %swap3A_377 = arith.constant 96 : index
        %swap3A_378 = tpu.vector_load %arg7[%swap3A_375, %swap3A_376, %swap3A_377] {strides = array<i32>} : memref<4x50x128xf32, #tpu.memory_space<vmem>>, vector<1x1x16xf32>,
        %swap3A_379 = vector.shape_cast %swap3A_378 : vector<1x1x16xf32> to vector<16xf32>
        %swap3A_380 = vector.shape_cast %mul3A_373 : vector<16xf32> to vector<1x1x16xf32>
        tpu.vector_store %arg7[%swap3A_375, %swap3A_376, %swap3A_377], %swap3A_380 {strides = array<i32>} : memref<4x50x128xf32, #tpu.memory_space<vmem>>, vector<1x1x16xf32>,
        %get3A_381 = arith.constant 0 : i32
        %get3A_382 = arith.index_cast %get3A_381 : i32 to index
        %get3A_383 = arith.index_cast %scan3A_270 : i32 to index
        %get3A_384 = arith.constant 112 : index
        %get3A_385 = tpu.vector_load %arg7[%get3A_382, %get3A_383, %get3A_384] {strides = array<i32>} : memref<4x50x128xf32, #tpu.memory_space<vmem>>, vector<1x1x16xf32>,
        %get3A_386 = vector.shape_cast %get3A_385 : vector<1x1x16xf32> to vector<16xf32>
        %mul3A_387 = arith.constant 11.3137083 : f32
        %mul3A_388 = vector.broadcast %mul3A_387 : f32 to vector<16xf32>
        %mul3A_389 = arith.mulf %get3A_386, %mul3A_388 : vector<16xf32>
        %swap3A_390 = arith.constant 0 : i32
        %swap3A_391 = arith.index_cast %swap3A_390 : i32 to index
        %swap3A_392 = arith.index_cast %scan3A_270 : i32 to index
        %swap3A_393 = arith.constant 112 : index
        %swap3A_394 = tpu.vector_load %arg7[%swap3A_391, %swap3A_392, %swap3A_393] {strides = array<i32>} : memref<4x50x128xf32, #tpu.memory_space<vmem>>, vector<1x1x16xf32>,
        %swap3A_395 = vector.shape_cast %swap3A_394 : vector<1x1x16xf32> to vector<16xf32>
        %swap3A_396 = vector.shape_cast %mul3A_389 : vector<16xf32> to vector<1x1x16xf32>
        tpu.vector_store %arg7[%swap3A_391, %swap3A_392, %swap3A_393], %swap3A_396 {strides = array<i32>} : memref<4x50x128xf32, #tpu.memory_space<vmem>>, vector<1x1x16xf32>,
        %get3A_397 = arith.constant 1 : i32
        %get3A_398 = arith.index_cast %get3A_397 : i32 to index
        %get3A_399 = arith.index_cast %scan3A_270 : i32 to index
        %get3A_400 = arith.constant 0 : index
        %get3A_401 = tpu.vector_load %arg7[%get3A_398, %get3A_399, %get3A_400] {strides = array<i32>} : memref<4x50x128xf32, #tpu.memory_space<vmem>>, vector<1x1x16xf32>,
        %get3A_402 = vector.shape_cast %get3A_401 : vector<1x1x16xf32> to vector<16xf32>
        %mul3A_403 = arith.constant 11.3137083 : f32
        %mul3A_404 = vector.broadcast %mul3A_403 : f32 to vector<16xf32>
        %mul3A_405 = arith.mulf %get3A_402, %mul3A_404 : vector<16xf32>
        %swap3A_406 = arith.constant 1 : i32
        %swap3A_407 = arith.index_cast %swap3A_406 : i32 to index
        %swap3A_408 = arith.index_cast %scan3A_270 : i32 to index
        %swap3A_409 = arith.constant 0 : index
        %swap3A_410 = tpu.vector_load %arg7[%swap3A_407, %swap3A_408, %swap3A_409] {strides = array<i32>} : memref<4x50x128xf32, #tpu.memory_space<vmem>>, vector<1x1x16xf32>,
        %swap3A_411 = vector.shape_cast %swap3A_410 : vector<1x1x16xf32> to vector<16xf32>
        %swap3A_412 = vector.shape_cast %mul3A_405 : vector<16xf32> to vector<1x1x16xf32>
        tpu.vector_store %arg7[%swap3A_407, %swap3A_408, %swap3A_409], %swap3A_412 {strides = array<i32>} : memref<4x50x128xf32, #tpu.memory_space<vmem>>, vector<1x1x16xf32>,
        %get3A_413 = arith.constant 1 : i32
        %get3A_414 = arith.index_cast %get3A_413 : i32 to index
        %get3A_415 = arith.index_cast %scan3A_270 : i32 to index
        %get3A_416 = arith.constant 16 : index
        %get3A_417 = tpu.vector_load %arg7[%get3A_414, %get3A_415, %get3A_416] {strides = array<i32>} : memref<4x50x128xf32, #tpu.memory_space<vmem>>, vector<1x1x16xf32>,
        %get3A_418 = vector.shape_cast %get3A_417 : vector<1x1x16xf32> to vector<16xf32>
        %mul3A_419 = arith.constant 11.3137083 : f32
        %mul3A_420 = vector.broadcast %mul3A_419 : f32 to vector<16xf32>
        %mul3A_421 = arith.mulf %get3A_418, %mul3A_420 : vector<16xf32>
        %swap3A_422 = arith.constant 1 : i32
        %swap3A_423 = arith.index_cast %swap3A_422 : i32 to index
        %swap3A_424 = arith.index_cast %scan3A_270 : i32 to index
        %swap3A_425 = arith.constant 16 : index
        %swap3A_426 = tpu.vector_load %arg7[%swap3A_423, %swap3A_424, %swap3A_425] {strides = array<i32>} : memref<4x50x128xf32, #tpu.memory_space<vmem>>, vector<1x1x16xf32>,
        %swap3A_427 = vector.shape_cast %swap3A_426 : vector<1x1x16xf32> to vector<16xf32>
        %swap3A_428 = vector.shape_cast %mul3A_421 : vector<16xf32> to vector<1x1x16xf32>
        tpu.vector_store %arg7[%swap3A_423, %swap3A_424, %swap3A_425], %swap3A_428 {strides = array<i32>} : memref<4x50x128xf32, #tpu.memory_space<vmem>>, vector<1x1x16xf32>,
        %get3A_429 = arith.constant 1 : i32
        %get3A_430 = arith.index_cast %get3A_429 : i32 to index
        %get3A_431 = arith.index_cast %scan3A_270 : i32 to index
        %get3A_432 = arith.constant 32 : index
        %get3A_433 = tpu.vector_load %arg7[%get3A_430, %get3A_431, %get3A_432] {strides = array<i32>} : memref<4x50x128xf32, #tpu.memory_space<vmem>>, vector<1x1x16xf32>,
        %get3A_434 = vector.shape_cast %get3A_433 : vector<1x1x16xf32> to vector<16xf32>
        %mul3A_435 = arith.constant 11.3137083 : f32
        %mul3A_436 = vector.broadcast %mul3A_435 : f32 to vector<16xf32>
        %mul3A_437 = arith.mulf %get3A_434, %mul3A_436 : vector<16xf32>
        %swap3A_438 = arith.constant 1 : i32
        %swap3A_439 = arith.index_cast %swap3A_438 : i32 to index
        %swap3A_440 = arith.index_cast %scan3A_270 : i32 to index
        %swap3A_441 = arith.constant 32 : index
        %swap3A_442 = tpu.vector_load %arg7[%swap3A_439, %swap3A_440, %swap3A_441] {strides = array<i32>} : memref<4x50x128xf32, #tpu.memory_space<vmem>>, vector<1x1x16xf32>,
        %swap3A_443 = vector.shape_cast %swap3A_442 : vector<1x1x16xf32> to vector<16xf32>
        %swap3A_444 = vector.shape_cast %mul3A_437 : vector<16xf32> to vector<1x1x16xf32>
        tpu.vector_store %arg7[%swap3A_439, %swap3A_440, %swap3A_441], %swap3A_444 {strides = array<i32>} : memref<4x50x128xf32, #tpu.memory_space<vmem>>, vector<1x1x16xf32>,
        %get3A_445 = arith.constant 1 : i32
        %get3A_446 = arith.index_cast %get3A_445 : i32 to index
        %get3A_447 = arith.index_cast %scan3A_270 : i32 to index
        %get3A_448 = arith.constant 48 : index
        %get3A_449 = tpu.vector_load %arg7[%get3A_446, %get3A_447, %get3A_448] {strides = array<i32>} : memref<4x50x128xf32, #tpu.memory_space<vmem>>, vector<1x1x16xf32>,
        %get3A_450 = vector.shape_cast %get3A_449 : vector<1x1x16xf32> to vector<16xf32>
        %mul3A_451 = arith.constant 11.3137083 : f32
        %mul3A_452 = vector.broadcast %mul3A_451 : f32 to vector<16xf32>
        %mul3A_453 = arith.mulf %get3A_450, %mul3A_452 : vector<16xf32>
        %swap3A_454 = arith.constant 1 : i32
        %swap3A_455 = arith.index_cast %swap3A_454 : i32 to index
        %swap3A_456 = arith.index_cast %scan3A_270 : i32 to index
        %swap3A_457 = arith.constant 48 : index
        %swap3A_458 = tpu.vector_load %arg7[%swap3A_455, %swap3A_456, %swap3A_457] {strides = array<i32>} : memref<4x50x128xf32, #tpu.memory_space<vmem>>, vector<1x1x16xf32>,
        %swap3A_459 = vector.shape_cast %swap3A_458 : vector<1x1x16xf32> to vector<16xf32>
        %swap3A_460 = vector.shape_cast %mul3A_453 : vector<16xf32> to vector<1x1x16xf32>
        tpu.vector_store %arg7[%swap3A_455, %swap3A_456, %swap3A_457], %swap3A_460 {strides = array<i32>} : memref<4x50x128xf32, #tpu.memory_space<vmem>>, vector<1x1x16xf32>,
        %get3A_461 = arith.constant 1 : i32
        %get3A_462 = arith.index_cast %get3A_461 : i32 to index
        %get3A_463 = arith.index_cast %scan3A_270 : i32 to index
        %get3A_464 = arith.constant 64 : index
        %get3A_465 = tpu.vector_load %arg7[%get3A_462, %get3A_463, %get3A_464] {strides = array<i32>} : memref<4x50x128xf32, #tpu.memory_space<vmem>>, vector<1x1x16xf32>,
        %get3A_466 = vector.shape_cast %get3A_465 : vector<1x1x16xf32> to vector<16xf32>
        %mul3A_467 = arith.constant 11.3137083 : f32
        %mul3A_468 = vector.broadcast %mul3A_467 : f32 to vector<16xf32>
        %mul3A_469 = arith.mulf %get3A_466, %mul3A_468 : vector<16xf32>
        %swap3A_470 = arith.constant 1 : i32
        %swap3A_471 = arith.index_cast %swap3A_470 : i32 to index
        %swap3A_472 = arith.index_cast %scan3A_270 : i32 to index
        %swap3A_473 = arith.constant 64 : index
        %swap3A_474 = tpu.vector_load %arg7[%swap3A_471, %swap3A_472, %swap3A_473] {strides = array<i32>} : memref<4x50x128xf32, #tpu.memory_space<vmem>>, vector<1x1x16xf32>,
        %swap3A_475 = vector.shape_cast %swap3A_474 : vector<1x1x16xf32> to vector<16xf32>
        %swap3A_476 = vector.shape_cast %mul3A_469 : vector<16xf32> to vector<1x1x16xf32>
        tpu.vector_store %arg7[%swap3A_471, %swap3A_472, %swap3A_473], %swap3A_476 {strides = array<i32>} : memref<4x50x128xf32, #tpu.memory_space<vmem>>, vector<1x1x16xf32>,
        %get3A_477 = arith.constant 1 : i32
        %get3A_478 = arith.index_cast %get3A_477 : i32 to index
        %get3A_479 = arith.index_cast %scan3A_270 : i32 to index
        %get3A_480 = arith.constant 80 : index
        %get3A_481 = tpu.vector_load %arg7[%get3A_478, %get3A_479, %get3A_480] {strides = array<i32>} : memref<4x50x128xf32, #tpu.memory_space<vmem>>, vector<1x1x16xf32>,
        %get3A_482 = vector.shape_cast %get3A_481 : vector<1x1x16xf32> to vector<16xf32>
        %mul3A_483 = arith.constant 11.3137083 : f32
        %mul3A_484 = vector.broadcast %mul3A_483 : f32 to vector<16xf32>
        %mul3A_485 = arith.mulf %get3A_482, %mul3A_484 : vector<16xf32>
        %swap3A_486 = arith.constant 1 : i32
        %swap3A_487 = arith.index_cast %swap3A_486 : i32 to index
        %swap3A_488 = arith.index_cast %scan3A_270 : i32 to index
        %swap3A_489 = arith.constant 80 : index
        %swap3A_490 = tpu.vector_load %arg7[%swap3A_487, %swap3A_488, %swap3A_489] {strides = array<i32>} : memref<4x50x128xf32, #tpu.memory_space<vmem>>, vector<1x1x16xf32>,
        %swap3A_491 = vector.shape_cast %swap3A_490 : vector<1x1x16xf32> to vector<16xf32>
        %swap3A_492 = vector.shape_cast %mul3A_485 : vector<16xf32> to vector<1x1x16xf32>
        tpu.vector_store %arg7[%swap3A_487, %swap3A_488, %swap3A_489], %swap3A_492 {strides = array<i32>} : memref<4x50x128xf32, #tpu.memory_space<vmem>>, vector<1x1x16xf32>,
        %get3A_493 = arith.constant 1 : i32
        %get3A_494 = arith.index_cast %get3A_493 : i32 to index
        %get3A_495 = arith.index_cast %scan3A_270 : i32 to index
        %get3A_496 = arith.constant 96 : index
        %get3A_497 = tpu.vector_load %arg7[%get3A_494, %get3A_495, %get3A_496] {strides = array<i32>} : memref<4x50x128xf32, #tpu.memory_space<vmem>>, vector<1x1x16xf32>,
        %get3A_498 = vector.shape_cast %get3A_497 : vector<1x1x16xf32> to vector<16xf32>
        %mul3A_499 = arith.constant 11.3137083 : f32
        %mul3A_500 = vector.broadcast %mul3A_499 : f32 to vector<16xf32>
        %mul3A_501 = arith.mulf %get3A_498, %mul3A_500 : vector<16xf32>
        %swap3A_502 = arith.constant 1 : i32
        %swap3A_503 = arith.index_cast %swap3A_502 : i32 to index
        %swap3A_504 = arith.index_cast %scan3A_270 : i32 to index
        %swap3A_505 = arith.constant 96 : index
        %swap3A_506 = tpu.vector_load %arg7[%swap3A_503, %swap3A_504, %swap3A_505] {strides = array<i32>} : memref<4x50x128xf32, #tpu.memory_space<vmem>>, vector<1x1x16xf32>,
        %swap3A_507 = vector.shape_cast %swap3A_506 : vector<1x1x16xf32> to vector<16xf32>
        %swap3A_508 = vector.shape_cast %mul3A_501 : vector<16xf32> to vector<1x1x16xf32>
        tpu.vector_store %arg7[%swap3A_503, %swap3A_504, %swap3A_505], %swap3A_508 {strides = array<i32>} : memref<4x50x128xf32, #tpu.memory_space<vmem>>, vector<1x1x16xf32>,
        %get3A_509 = arith.constant 1 : i32
        %get3A_510 = arith.index_cast %get3A_509 : i32 to index
        %get3A_511 = arith.index_cast %scan3A_270 : i32 to index
        %get3A_512 = arith.constant 112 : index
        %get3A_513 = tpu.vector_load %arg7[%get3A_510, %get3A_511, %get3A_512] {strides = array<i32>} : memref<4x50x128xf32, #tpu.memory_space<vmem>>, vector<1x1x16xf32>,
        %get3A_514 = vector.shape_cast %get3A_513 : vector<1x1x16xf32> to vector<16xf32>
        %mul3A_515 = arith.constant 11.3137083 : f32
        %mul3A_516 = vector.broadcast %mul3A_515 : f32 to vector<16xf32>
        %mul3A_517 = arith.mulf %get3A_514, %mul3A_516 : vector<16xf32>
        %swap3A_518 = arith.constant 1 : i32
        %swap3A_519 = arith.index_cast %swap3A_518 : i32 to index
        %swap3A_520 = arith.index_cast %scan3A_270 : i32 to index
        %swap3A_521 = arith.constant 112 : index
        %swap3A_522 = tpu.vector_load %arg7[%swap3A_519, %swap3A_520, %swap3A_521] {strides = array<i32>} : memref<4x50x128xf32, #tpu.memory_space<vmem>>, vector<1x1x16xf32>,
        %swap3A_523 = vector.shape_cast %swap3A_522 : vector<1x1x16xf32> to vector<16xf32>
        %swap3A_524 = vector.shape_cast %mul3A_517 : vector<16xf32> to vector<1x1x16xf32>
        tpu.vector_store %arg7[%swap3A_519, %swap3A_520, %swap3A_521], %swap3A_524 {strides = array<i32>} : memref<4x50x128xf32, #tpu.memory_space<vmem>>, vector<1x1x16xf32>,
        %get3A_525 = arith.constant 2 : i32
        %get3A_526 = arith.index_cast %get3A_525 : i32 to index
        %get3A_527 = arith.index_cast %scan3A_270 : i32 to index
        %get3A_528 = arith.constant 0 : index
        %get3A_529 = tpu.vector_load %arg7[%get3A_526, %get3A_527, %get3A_528] {strides = array<i32>} : memref<4x50x128xf32, #tpu.memory_space<vmem>>, vector<1x1x16xf32>,
        %get3A_530 = vector.shape_cast %get3A_529 : vector<1x1x16xf32> to vector<16xf32>
        %mul3A_531 = arith.constant 11.3137083 : f32
        %mul3A_532 = vector.broadcast %mul3A_531 : f32 to vector<16xf32>
        %mul3A_533 = arith.mulf %get3A_530, %mul3A_532 : vector<16xf32>
        %swap3A_534 = arith.constant 2 : i32
        %swap3A_535 = arith.index_cast %swap3A_534 : i32 to index
        %swap3A_536 = arith.index_cast %scan3A_270 : i32 to index
        %swap3A_537 = arith.constant 0 : index
        %swap3A_538 = tpu.vector_load %arg7[%swap3A_535, %swap3A_536, %swap3A_537] {strides = array<i32>} : memref<4x50x128xf32, #tpu.memory_space<vmem>>, vector<1x1x16xf32>,
        %swap3A_539 = vector.shape_cast %swap3A_538 : vector<1x1x16xf32> to vector<16xf32>
        %swap3A_540 = vector.shape_cast %mul3A_533 : vector<16xf32> to vector<1x1x16xf32>
        tpu.vector_store %arg7[%swap3A_535, %swap3A_536, %swap3A_537], %swap3A_540 {strides = array<i32>} : memref<4x50x128xf32, #tpu.memory_space<vmem>>, vector<1x1x16xf32>,
        %get3A_541 = arith.constant 2 : i32
        %get3A_542 = arith.index_cast %get3A_541 : i32 to index
        %get3A_543 = arith.index_cast %scan3A_270 : i32 to index
        %get3A_544 = arith.constant 16 : index
        %get3A_545 = tpu.vector_load %arg7[%get3A_542, %get3A_543, %get3A_544] {strides = array<i32>} : memref<4x50x128xf32, #tpu.memory_space<vmem>>, vector<1x1x16xf32>,
        %get3A_546 = vector.shape_cast %get3A_545 : vector<1x1x16xf32> to vector<16xf32>
        %mul3A_547 = arith.constant 11.3137083 : f32
        %mul3A_548 = vector.broadcast %mul3A_547 : f32 to vector<16xf32>
        %mul3A_549 = arith.mulf %get3A_546, %mul3A_548 : vector<16xf32>
        %swap3A_550 = arith.constant 2 : i32
        %swap3A_551 = arith.index_cast %swap3A_550 : i32 to index
        %swap3A_552 = arith.index_cast %scan3A_270 : i32 to index
        %swap3A_553 = arith.constant 16 : index
        %swap3A_554 = tpu.vector_load %arg7[%swap3A_551, %swap3A_552, %swap3A_553] {strides = array<i32>} : memref<4x50x128xf32, #tpu.memory_space<vmem>>, vector<1x1x16xf32>,
        %swap3A_555 = vector.shape_cast %swap3A_554 : vector<1x1x16xf32> to vector<16xf32>
        %swap3A_556 = vector.shape_cast %mul3A_549 : vector<16xf32> to vector<1x1x16xf32>
        tpu.vector_store %arg7[%swap3A_551, %swap3A_552, %swap3A_553], %swap3A_556 {strides = array<i32>} : memref<4x50x128xf32, #tpu.memory_space<vmem>>, vector<1x1x16xf32>,
        %get3A_557 = arith.constant 2 : i32
        %get3A_558 = arith.index_cast %get3A_557 : i32 to index
        %get3A_559 = arith.index_cast %scan3A_270 : i32 to index
        %get3A_560 = arith.constant 32 : index
        %get3A_561 = tpu.vector_load %arg7[%get3A_558, %get3A_559, %get3A_560] {strides = array<i32>} : memref<4x50x128xf32, #tpu.memory_space<vmem>>, vector<1x1x16xf32>,
        %get3A_562 = vector.shape_cast %get3A_561 : vector<1x1x16xf32> to vector<16xf32>
        %mul3A_563 = arith.constant 11.3137083 : f32
        %mul3A_564 = vector.broadcast %mul3A_563 : f32 to vector<16xf32>
        %mul3A_565 = arith.mulf %get3A_562, %mul3A_564 : vector<16xf32>
        %swap3A_566 = arith.constant 2 : i32
        %swap3A_567 = arith.index_cast %swap3A_566 : i32 to index
        %swap3A_568 = arith.index_cast %scan3A_270 : i32 to index
        %swap3A_569 = arith.constant 32 : index
        %swap3A_570 = tpu.vector_load %arg7[%swap3A_567, %swap3A_568, %swap3A_569] {strides = array<i32>} : memref<4x50x128xf32, #tpu.memory_space<vmem>>, vector<1x1x16xf32>,
        %swap3A_571 = vector.shape_cast %swap3A_570 : vector<1x1x16xf32> to vector<16xf32>
        %swap3A_572 = vector.shape_cast %mul3A_565 : vector<16xf32> to vector<1x1x16xf32>
        tpu.vector_store %arg7[%swap3A_567, %swap3A_568, %swap3A_569], %swap3A_572 {strides = array<i32>} : memref<4x50x128xf32, #tpu.memory_space<vmem>>, vector<1x1x16xf32>,
        %get3A_573 = arith.constant 2 : i32
        %get3A_574 = arith.index_cast %get3A_573 : i32 to index
        %get3A_575 = arith.index_cast %scan3A_270 : i32 to index
        %get3A_576 = arith.constant 48 : index
        %get3A_577 = tpu.vector_load %arg7[%get3A_574, %get3A_575, %get3A_576] {strides = array<i32>} : memref<4x50x128xf32, #tpu.memory_space<vmem>>, vector<1x1x16xf32>,
        %get3A_578 = vector.shape_cast %get3A_577 : vector<1x1x16xf32> to vector<16xf32>
        %mul3A_579 = arith.constant 11.3137083 : f32
        %mul3A_580 = vector.broadcast %mul3A_579 : f32 to vector<16xf32>
        %mul3A_581 = arith.mulf %get3A_578, %mul3A_580 : vector<16xf32>
        %swap3A_582 = arith.constant 2 : i32
        %swap3A_583 = arith.index_cast %swap3A_582 : i32 to index
        %swap3A_584 = arith.index_cast %scan3A_270 : i32 to index
        %swap3A_585 = arith.constant 48 : index
        %swap3A_586 = tpu.vector_load %arg7[%swap3A_583, %swap3A_584, %swap3A_585] {strides = array<i32>} : memref<4x50x128xf32, #tpu.memory_space<vmem>>, vector<1x1x16xf32>,
        %swap3A_587 = vector.shape_cast %swap3A_586 : vector<1x1x16xf32> to vector<16xf32>
        %swap3A_588 = vector.shape_cast %mul3A_581 : vector<16xf32> to vector<1x1x16xf32>
        tpu.vector_store %arg7[%swap3A_583, %swap3A_584, %swap3A_585], %swap3A_588 {strides = array<i32>} : memref<4x50x128xf32, #tpu.memory_space<vmem>>, vector<1x1x16xf32>,
        %get3A_589 = arith.constant 2 : i32
        %get3A_590 = arith.index_cast %get3A_589 : i32 to index
        %get3A_591 = arith.index_cast %scan3A_270 : i32 to index
        %get3A_592 = arith.constant 64 : index
        %get3A_593 = tpu.vector_load %arg7[%get3A_590, %get3A_591, %get3A_592] {strides = array<i32>} : memref<4x50x128xf32, #tpu.memory_space<vmem>>, vector<1x1x16xf32>,
        %get3A_594 = vector.shape_cast %get3A_593 : vector<1x1x16xf32> to vector<16xf32>
        %mul3A_595 = arith.constant 11.3137083 : f32
        %mul3A_596 = vector.broadcast %mul3A_595 : f32 to vector<16xf32>
        %mul3A_597 = arith.mulf %get3A_594, %mul3A_596 : vector<16xf32>
        %swap3A_598 = arith.constant 2 : i32
        %swap3A_599 = arith.index_cast %swap3A_598 : i32 to index
        %swap3A_600 = arith.index_cast %scan3A_270 : i32 to index
        %swap3A_601 = arith.constant 64 : index
        %swap3A_602 = tpu.vector_load %arg7[%swap3A_599, %swap3A_600, %swap3A_601] {strides = array<i32>} : memref<4x50x128xf32, #tpu.memory_space<vmem>>, vector<1x1x16xf32>,
        %swap3A_603 = vector.shape_cast %swap3A_602 : vector<1x1x16xf32> to vector<16xf32>
        %swap3A_604 = vector.shape_cast %mul3A_597 : vector<16xf32> to vector<1x1x16xf32>
        tpu.vector_store %arg7[%swap3A_599, %swap3A_600, %swap3A_601], %swap3A_604 {strides = array<i32>} : memref<4x50x128xf32, #tpu.memory_space<vmem>>, vector<1x1x16xf32>,
        %get3A_605 = arith.constant 2 : i32
        %get3A_606 = arith.index_cast %get3A_605 : i32 to index
        %get3A_607 = arith.index_cast %scan3A_270 : i32 to index
        %get3A_608 = arith.constant 80 : index
        %get3A_609 = tpu.vector_load %arg7[%get3A_606, %get3A_607, %get3A_608] {strides = array<i32>} : memref<4x50x128xf32, #tpu.memory_space<vmem>>, vector<1x1x16xf32>,
        %get3A_610 = vector.shape_cast %get3A_609 : vector<1x1x16xf32> to vector<16xf32>
        %mul3A_611 = arith.constant 11.3137083 : f32
        %mul3A_612 = vector.broadcast %mul3A_611 : f32 to vector<16xf32>
        %mul3A_613 = arith.mulf %get3A_610, %mul3A_612 : vector<16xf32>
        %swap3A_614 = arith.constant 2 : i32
        %swap3A_615 = arith.index_cast %swap3A_614 : i32 to index
        %swap3A_616 = arith.index_cast %scan3A_270 : i32 to index
        %swap3A_617 = arith.constant 80 : index
        %swap3A_618 = tpu.vector_load %arg7[%swap3A_615, %swap3A_616, %swap3A_617] {strides = array<i32>} : memref<4x50x128xf32, #tpu.memory_space<vmem>>, vector<1x1x16xf32>,
        %swap3A_619 = vector.shape_cast %swap3A_618 : vector<1x1x16xf32> to vector<16xf32>
        %swap3A_620 = vector.shape_cast %mul3A_613 : vector<16xf32> to vector<1x1x16xf32>
        tpu.vector_store %arg7[%swap3A_615, %swap3A_616, %swap3A_617], %swap3A_620 {strides = array<i32>} : memref<4x50x128xf32, #tpu.memory_space<vmem>>, vector<1x1x16xf32>,
        %get3A_621 = arith.constant 2 : i32
        %get3A_622 = arith.index_cast %get3A_621 : i32 to index
        %get3A_623 = arith.index_cast %scan3A_270 : i32 to index
        %get3A_624 = arith.constant 96 : index
        %get3A_625 = tpu.vector_load %arg7[%get3A_622, %get3A_623, %get3A_624] {strides = array<i32>} : memref<4x50x128xf32, #tpu.memory_space<vmem>>, vector<1x1x16xf32>,
        %get3A_626 = vector.shape_cast %get3A_625 : vector<1x1x16xf32> to vector<16xf32>
        %mul3A_627 = arith.constant 11.3137083 : f32
        %mul3A_628 = vector.broadcast %mul3A_627 : f32 to vector<16xf32>
        %mul3A_629 = arith.mulf %get3A_626, %mul3A_628 : vector<16xf32>
        %swap3A_630 = arith.constant 2 : i32
        %swap3A_631 = arith.index_cast %swap3A_630 : i32 to index
        %swap3A_632 = arith.index_cast %scan3A_270 : i32 to index
        %swap3A_633 = arith.constant 96 : index
        %swap3A_634 = tpu.vector_load %arg7[%swap3A_631, %swap3A_632, %swap3A_633] {strides = array<i32>} : memref<4x50x128xf32, #tpu.memory_space<vmem>>, vector<1x1x16xf32>,
        %swap3A_635 = vector.shape_cast %swap3A_634 : vector<1x1x16xf32> to vector<16xf32>
        %swap3A_636 = vector.shape_cast %mul3A_629 : vector<16xf32> to vector<1x1x16xf32>
        tpu.vector_store %arg7[%swap3A_631, %swap3A_632, %swap3A_633], %swap3A_636 {strides = array<i32>} : memref<4x50x128xf32, #tpu.memory_space<vmem>>, vector<1x1x16xf32>,
        %get3A_637 = arith.constant 2 : i32
        %get3A_638 = arith.index_cast %get3A_637 : i32 to index
        %get3A_639 = arith.index_cast %scan3A_270 : i32 to index
        %get3A_640 = arith.constant 112 : index
        %get3A_641 = tpu.vector_load %arg7[%get3A_638, %get3A_639, %get3A_640] {strides = array<i32>} : memref<4x50x128xf32, #tpu.memory_space<vmem>>, vector<1x1x16xf32>,
        %get3A_642 = vector.shape_cast %get3A_641 : vector<1x1x16xf32> to vector<16xf32>
        %mul3A_643 = arith.constant 11.3137083 : f32
        %mul3A_644 = vector.broadcast %mul3A_643 : f32 to vector<16xf32>
        %mul3A_645 = arith.mulf %get3A_642, %mul3A_644 : vector<16xf32>
        %swap3A_646 = arith.constant 2 : i32
        %swap3A_647 = arith.index_cast %swap3A_646 : i32 to index
        %swap3A_648 = arith.index_cast %scan3A_270 : i32 to index
        %swap3A_649 = arith.constant 112 : index
        %swap3A_650 = tpu.vector_load %arg7[%swap3A_647, %swap3A_648, %swap3A_649] {strides = array<i32>} : memref<4x50x128xf32, #tpu.memory_space<vmem>>, vector<1x1x16xf32>,
        %swap3A_651 = vector.shape_cast %swap3A_650 : vector<1x1x16xf32> to vector<16xf32>
        %swap3A_652 = vector.shape_cast %mul3A_645 : vector<16xf32> to vector<1x1x16xf32>
        tpu.vector_store %arg7[%swap3A_647, %swap3A_648, %swap3A_649], %swap3A_652 {strides = array<i32>} : memref<4x50x128xf32, #tpu.memory_space<vmem>>, vector<1x1x16xf32>,
        %get3A_653 = arith.constant 3 : i32
        %get3A_654 = arith.index_cast %get3A_653 : i32 to index
        %get3A_655 = arith.index_cast %scan3A_270 : i32 to index
        %get3A_656 = arith.constant 0 : index
        %get3A_657 = tpu.vector_load %arg7[%get3A_654, %get3A_655, %get3A_656] {strides = array<i32>} : memref<4x50x128xf32, #tpu.memory_space<vmem>>, vector<1x1x16xf32>,
        %get3A_658 = vector.shape_cast %get3A_657 : vector<1x1x16xf32> to vector<16xf32>
        %mul3A_659 = arith.constant 11.3137083 : f32
        %mul3A_660 = vector.broadcast %mul3A_659 : f32 to vector<16xf32>
        %mul3A_661 = arith.mulf %get3A_658, %mul3A_660 : vector<16xf32>
        %swap3A_662 = arith.constant 3 : i32
        %swap3A_663 = arith.index_cast %swap3A_662 : i32 to index
        %swap3A_664 = arith.index_cast %scan3A_270 : i32 to index
        %swap3A_665 = arith.constant 0 : index
        %swap3A_666 = tpu.vector_load %arg7[%swap3A_663, %swap3A_664, %swap3A_665] {strides = array<i32>} : memref<4x50x128xf32, #tpu.memory_space<vmem>>, vector<1x1x16xf32>,
        %swap3A_667 = vector.shape_cast %swap3A_666 : vector<1x1x16xf32> to vector<16xf32>
        %swap3A_668 = vector.shape_cast %mul3A_661 : vector<16xf32> to vector<1x1x16xf32>
        tpu.vector_store %arg7[%swap3A_663, %swap3A_664, %swap3A_665], %swap3A_668 {strides = array<i32>} : memref<4x50x128xf32, #tpu.memory_space<vmem>>, vector<1x1x16xf32>,
        %get3A_669 = arith.constant 3 : i32
        %get3A_670 = arith.index_cast %get3A_669 : i32 to index
        %get3A_671 = arith.index_cast %scan3A_270 : i32 to index
        %get3A_672 = arith.constant 16 : index
        %get3A_673 = tpu.vector_load %arg7[%get3A_670, %get3A_671, %get3A_672] {strides = array<i32>} : memref<4x50x128xf32, #tpu.memory_space<vmem>>, vector<1x1x16xf32>,
        %get3A_674 = vector.shape_cast %get3A_673 : vector<1x1x16xf32> to vector<16xf32>
        %mul3A_675 = arith.constant 11.3137083 : f32
        %mul3A_676 = vector.broadcast %mul3A_675 : f32 to vector<16xf32>
        %mul3A_677 = arith.mulf %get3A_674, %mul3A_676 : vector<16xf32>
        %swap3A_678 = arith.constant 3 : i32
        %swap3A_679 = arith.index_cast %swap3A_678 : i32 to index
        %swap3A_680 = arith.index_cast %scan3A_270 : i32 to index
        %swap3A_681 = arith.constant 16 : index
        %swap3A_682 = tpu.vector_load %arg7[%swap3A_679, %swap3A_680, %swap3A_681] {strides = array<i32>} : memref<4x50x128xf32, #tpu.memory_space<vmem>>, vector<1x1x16xf32>,
        %swap3A_683 = vector.shape_cast %swap3A_682 : vector<1x1x16xf32> to vector<16xf32>
        %swap3A_684 = vector.shape_cast %mul3A_677 : vector<16xf32> to vector<1x1x16xf32>
        tpu.vector_store %arg7[%swap3A_679, %swap3A_680, %swap3A_681], %swap3A_684 {strides = array<i32>} : memref<4x50x128xf32, #tpu.memory_space<vmem>>, vector<1x1x16xf32>,
        %get3A_685 = arith.constant 3 : i32
        %get3A_686 = arith.index_cast %get3A_685 : i32 to index
        %get3A_687 = arith.index_cast %scan3A_270 : i32 to index
        %get3A_688 = arith.constant 32 : index
        %get3A_689 = tpu.vector_load %arg7[%get3A_686, %get3A_687, %get3A_688] {strides = array<i32>} : memref<4x50x128xf32, #tpu.memory_space<vmem>>, vector<1x1x16xf32>,
        %get3A_690 = vector.shape_cast %get3A_689 : vector<1x1x16xf32> to vector<16xf32>
        %mul3A_691 = arith.constant 11.3137083 : f32
        %mul3A_692 = vector.broadcast %mul3A_691 : f32 to vector<16xf32>
        %mul3A_693 = arith.mulf %get3A_690, %mul3A_692 : vector<16xf32>
        %swap3A_694 = arith.constant 3 : i32
        %swap3A_695 = arith.index_cast %swap3A_694 : i32 to index
        %swap3A_696 = arith.index_cast %scan3A_270 : i32 to index
        %swap3A_697 = arith.constant 32 : index
        %swap3A_698 = tpu.vector_load %arg7[%swap3A_695, %swap3A_696, %swap3A_697] {strides = array<i32>} : memref<4x50x128xf32, #tpu.memory_space<vmem>>, vector<1x1x16xf32>,
        %swap3A_699 = vector.shape_cast %swap3A_698 : vector<1x1x16xf32> to vector<16xf32>
        %swap3A_700 = vector.shape_cast %mul3A_693 : vector<16xf32> to vector<1x1x16xf32>
        tpu.vector_store %arg7[%swap3A_695, %swap3A_696, %swap3A_697], %swap3A_700 {strides = array<i32>} : memref<4x50x128xf32, #tpu.memory_space<vmem>>, vector<1x1x16xf32>,
        %get3A_701 = arith.constant 3 : i32
        %get3A_702 = arith.index_cast %get3A_701 : i32 to index
        %get3A_703 = arith.index_cast %scan3A_270 : i32 to index
        %get3A_704 = arith.constant 48 : index
        %get3A_705 = tpu.vector_load %arg7[%get3A_702, %get3A_703, %get3A_704] {strides = array<i32>} : memref<4x50x128xf32, #tpu.memory_space<vmem>>, vector<1x1x16xf32>,
        %get3A_706 = vector.shape_cast %get3A_705 : vector<1x1x16xf32> to vector<16xf32>
        %mul3A_707 = arith.constant 11.3137083 : f32
        %mul3A_708 = vector.broadcast %mul3A_707 : f32 to vector<16xf32>
        %mul3A_709 = arith.mulf %get3A_706, %mul3A_708 : vector<16xf32>
        %swap3A_710 = arith.constant 3 : i32
        %swap3A_711 = arith.index_cast %swap3A_710 : i32 to index
        %swap3A_712 = arith.index_cast %scan3A_270 : i32 to index
        %swap3A_713 = arith.constant 48 : index
        %swap3A_714 = tpu.vector_load %arg7[%swap3A_711, %swap3A_712, %swap3A_713] {strides = array<i32>} : memref<4x50x128xf32, #tpu.memory_space<vmem>>, vector<1x1x16xf32>,
        %swap3A_715 = vector.shape_cast %swap3A_714 : vector<1x1x16xf32> to vector<16xf32>
        %swap3A_716 = vector.shape_cast %mul3A_709 : vector<16xf32> to vector<1x1x16xf32>
        tpu.vector_store %arg7[%swap3A_711, %swap3A_712, %swap3A_713], %swap3A_716 {strides = array<i32>} : memref<4x50x128xf32, #tpu.memory_space<vmem>>, vector<1x1x16xf32>,
        %get3A_717 = arith.constant 3 : i32
        %get3A_718 = arith.index_cast %get3A_717 : i32 to index
        %get3A_719 = arith.index_cast %scan3A_270 : i32 to index
        %get3A_720 = arith.constant 64 : index
        %get3A_721 = tpu.vector_load %arg7[%get3A_718, %get3A_719, %get3A_720] {strides = array<i32>} : memref<4x50x128xf32, #tpu.memory_space<vmem>>, vector<1x1x16xf32>,
        %get3A_722 = vector.shape_cast %get3A_721 : vector<1x1x16xf32> to vector<16xf32>
        %mul3A_723 = arith.constant 11.3137083 : f32
        %mul3A_724 = vector.broadcast %mul3A_723 : f32 to vector<16xf32>
        %mul3A_725 = arith.mulf %get3A_722, %mul3A_724 : vector<16xf32>
        %swap3A_726 = arith.constant 3 : i32
        %swap3A_727 = arith.index_cast %swap3A_726 : i32 to index
        %swap3A_728 = arith.index_cast %scan3A_270 : i32 to index
        %swap3A_729 = arith.constant 64 : index
        %swap3A_730 = tpu.vector_load %arg7[%swap3A_727, %swap3A_728, %swap3A_729] {strides = array<i32>} : memref<4x50x128xf32, #tpu.memory_space<vmem>>, vector<1x1x16xf32>,
        %swap3A_731 = vector.shape_cast %swap3A_730 : vector<1x1x16xf32> to vector<16xf32>
        %swap3A_732 = vector.shape_cast %mul3A_725 : vector<16xf32> to vector<1x1x16xf32>
        tpu.vector_store %arg7[%swap3A_727, %swap3A_728, %swap3A_729], %swap3A_732 {strides = array<i32>} : memref<4x50x128xf32, #tpu.memory_space<vmem>>, vector<1x1x16xf32>,
        %get3A_733 = arith.constant 3 : i32
        %get3A_734 = arith.index_cast %get3A_733 : i32 to index
        %get3A_735 = arith.index_cast %scan3A_270 : i32 to index
        %get3A_736 = arith.constant 80 : index
        %get3A_737 = tpu.vector_load %arg7[%get3A_734, %get3A_735, %get3A_736] {strides = array<i32>} : memref<4x50x128xf32, #tpu.memory_space<vmem>>, vector<1x1x16xf32>,
        %get3A_738 = vector.shape_cast %get3A_737 : vector<1x1x16xf32> to vector<16xf32>
        %mul3A_739 = arith.constant 11.3137083 : f32
        %mul3A_740 = vector.broadcast %mul3A_739 : f32 to vector<16xf32>
        %mul3A_741 = arith.mulf %get3A_738, %mul3A_740 : vector<16xf32>
        %swap3A_742 = arith.constant 3 : i32
        %swap3A_743 = arith.index_cast %swap3A_742 : i32 to index
        %swap3A_744 = arith.index_cast %scan3A_270 : i32 to index
        %swap3A_745 = arith.constant 80 : index
        %swap3A_746 = tpu.vector_load %arg7[%swap3A_743, %swap3A_744, %swap3A_745] {strides = array<i32>} : memref<4x50x128xf32, #tpu.memory_space<vmem>>, vector<1x1x16xf32>,
        %swap3A_747 = vector.shape_cast %swap3A_746 : vector<1x1x16xf32> to vector<16xf32>
        %swap3A_748 = vector.shape_cast %mul3A_741 : vector<16xf32> to vector<1x1x16xf32>
        tpu.vector_store %arg7[%swap3A_743, %swap3A_744, %swap3A_745], %swap3A_748 {strides = array<i32>} : memref<4x50x128xf32, #tpu.memory_space<vmem>>, vector<1x1x16xf32>,
        %get3A_749 = arith.constant 3 : i32
        %get3A_750 = arith.index_cast %get3A_749 : i32 to index
        %get3A_751 = arith.index_cast %scan3A_270 : i32 to index
        %get3A_752 = arith.constant 96 : index
        %get3A_753 = tpu.vector_load %arg7[%get3A_750, %get3A_751, %get3A_752] {strides = array<i32>} : memref<4x50x128xf32, #tpu.memory_space<vmem>>, vector<1x1x16xf32>,
        %get3A_754 = vector.shape_cast %get3A_753 : vector<1x1x16xf32> to vector<16xf32>
        %mul3A_755 = arith.constant 11.3137083 : f32
        %mul3A_756 = vector.broadcast %mul3A_755 : f32 to vector<16xf32>
        %mul3A_757 = arith.mulf %get3A_754, %mul3A_756 : vector<16xf32>
        %swap3A_758 = arith.constant 3 : i32
        %swap3A_759 = arith.index_cast %swap3A_758 : i32 to index
        %swap3A_760 = arith.index_cast %scan3A_270 : i32 to index
        %swap3A_761 = arith.constant 96 : index
        %swap3A_762 = tpu.vector_load %arg7[%swap3A_759, %swap3A_760, %swap3A_761] {strides = array<i32>} : memref<4x50x128xf32, #tpu.memory_space<vmem>>, vector<1x1x16xf32>,
        %swap3A_763 = vector.shape_cast %swap3A_762 : vector<1x1x16xf32> to vector<16xf32>
        %swap3A_764 = vector.shape_cast %mul3A_757 : vector<16xf32> to vector<1x1x16xf32>
        tpu.vector_store %arg7[%swap3A_759, %swap3A_760, %swap3A_761], %swap3A_764 {strides = array<i32>} : memref<4x50x128xf32, #tpu.memory_space<vmem>>, vector<1x1x16xf32>,
        %get3A_765 = arith.constant 3 : i32
        %get3A_766 = arith.index_cast %get3A_765 : i32 to index
        %get3A_767 = arith.index_cast %scan3A_270 : i32 to index
        %get3A_768 = arith.constant 112 : index
        %get3A_769 = tpu.vector_load %arg7[%get3A_766, %get3A_767, %get3A_768] {strides = array<i32>} : memref<4x50x128xf32, #tpu.memory_space<vmem>>, vector<1x1x16xf32>,
        %get3A_770 = vector.shape_cast %get3A_769 : vector<1x1x16xf32> to vector<16xf32>
        %mul3A_771 = arith.constant 11.3137083 : f32
        %mul3A_772 = vector.broadcast %mul3A_771 : f32 to vector<16xf32>
        %mul3A_773 = arith.mulf %get3A_770, %mul3A_772 : vector<16xf32>
        %swap3A_774 = arith.constant 3 : i32
        %swap3A_775 = arith.index_cast %swap3A_774 : i32 to index
        %swap3A_776 = arith.index_cast %scan3A_270 : i32 to index
        %swap3A_777 = arith.constant 112 : index
        %swap3A_778 = tpu.vector_load %arg7[%swap3A_775, %swap3A_776, %swap3A_777] {strides = array<i32>} : memref<4x50x128xf32, #tpu.memory_space<vmem>>, vector<1x1x16xf32>,
        %swap3A_779 = vector.shape_cast %swap3A_778 : vector<1x1x16xf32> to vector<16xf32>
        %swap3A_780 = vector.shape_cast %mul3A_773 : vector<16xf32> to vector<1x1x16xf32>
        tpu.vector_store %arg7[%swap3A_775, %swap3A_776, %swap3A_777], %swap3A_780 {strides = array<i32>} : memref<4x50x128xf32, #tpu.memory_space<vmem>>, vector<1x1x16xf32>,
      }
      %scan3A_260 = arith.constant 50 : i32
      %mul3A_261 = arith.constant 4 : i32
      %mul3A_262 = arith.muli %add3A_25, %mul3A_261 : i32
      %add3A_263 = arith.addi %mul3A_2, %mul3A_262 : i32
      %dma_start3A_264 = arith.constant 0 : i32
      %dma_start3A_265 = arith.constant 0 : i32
      %dma_start3A_266 = tpu.memref_slice %arg4[%add3A_263, %dma_start3A_264, %dma_start3A_265] : memref<4096x50x128xf32, #tpu.memory_space<hbm>> -> memref<4x50x128xf32, #tpu.memory_space<hbm>>
      %dma_start3A_267 = arith.constant 0 : i32
      %dma_start3A_268 = arith.constant 0 : i32
      %dma_start3A_269 = tpu.memref_slice %arg4[%add3A_263, %dma_start3A_267, %dma_start3A_268] : memref<4096x50x128xf32, #tpu.memory_space<hbm>> -> memref<4x50x128xf32, #tpu.memory_space<hbm>>
      tpu.enqueue_dma source(%arg7 : memref<4x50x128xf32, #tpu.memory_space<vmem>>) target(%dma_start3A_269 : memref<4x50x128xf32, #tpu.memory_space<hbm>>) target_semaphore(%arg11 : memref<!tpu.dma_semaphore, #tpu.memory_space<semaphore_mem>>)
    }
    %scan3A_7 = arith.constant 16 : i32
    %dma_wait3A = arith.constant 0 : i32
    %dma_wait3A_8 = arith.constant 0 : i32
    %dma_wait3A_9 = tpu.memref_slice %arg4[%mul3A_2, %dma_wait3A, %dma_wait3A_8] : memref<4096x50x128xf32, #tpu.memory_space<hbm>> -> memref<4x50x128xf32, #tpu.memory_space<hbm>>
    %dma_wait3A_10 = arith.constant 0 : i32
    %dma_wait3A_11 = arith.constant 0 : i32
    %dma_wait3A_12 = tpu.memref_slice %arg4[%mul3A_2, %dma_wait3A_10, %dma_wait3A_11] : memref<4096x50x128xf32, #tpu.memory_space<hbm>> -> memref<4x50x128xf32, #tpu.memory_space<hbm>>
    tpu.wait_dma2 semaphore(%arg10 : memref<!tpu.dma_semaphore, #tpu.memory_space<semaphore_mem>>) src(%arg6 : memref<4x50x128xf32, #tpu.memory_space<vmem>>) dst(%dma_wait3A_12 : memref<4x50x128xf32, #tpu.memory_space<hbm>>)
    %dma_wait3A_13 = arith.constant 0 : i32
    %dma_wait3A_14 = arith.constant 0 : i32
    %dma_wait3A_15 = tpu.memref_slice %arg4[%mul3A_2, %dma_wait3A_13, %dma_wait3A_14] : memref<4096x50x128xf32, #tpu.memory_space<hbm>> -> memref<4x50x128xf32, #tpu.memory_space<hbm>>
    %dma_wait3A_16 = arith.constant 0 : i32
    %dma_wait3A_17 = arith.constant 0 : i32
    %dma_wait3A_18 = tpu.memref_slice %arg4[%mul3A_2, %dma_wait3A_16, %dma_wait3A_17] : memref<4096x50x128xf32, #tpu.memory_space<hbm>> -> memref<4x50x128xf32, #tpu.memory_space<hbm>>
    tpu.wait_dma2 semaphore(%arg11 : memref<!tpu.dma_semaphore, #tpu.memory_space<semaphore_mem>>) src(%arg7 : memref<4x50x128xf32, #tpu.memory_space<vmem>>) dst(%dma_wait3A_18 : memref<4x50x128xf32, #tpu.memory_space<hbm>>)
    return
  }
}

</mosaic_0001>

<sc_bundles>
// kernel: kernel.3.cloned.1.call-start
scs
__scs_entry_jumppad:
0x0: {  	(pc) =	sbr.rel $0x88, $3  }
0x1: {  	(tag) =	ssettag $0x0;
	lr =	simm.s32 $0x1  }
0x2: {  	[smem:$0x3F9F] =	sst lr;
	_ =	strace $0xD0000000  }
0x3: {  	_ = 	snop  }
0x4: {  	_ = 	snop  }
0x5: {  	_ = 	snop  }
0x6: {  	_ = 	snop  }
0x7: {  	_ = 	snop  }
__scs_overlays_trampoline_lowered:
0x8: {  	[smem:$0x3FAE] =	sst s0  }
0x9: {  	[smem:$0x3FAF] =	sst s1  }
0xa: {  	[smem:$0x3FB0] =	sst s2  }
0xb: {  	[smem:$0x3FB1] =	sst s3  }
0xc: {  	[smem:$0x3FB2] =	sst s4  }
0xd: {  	[smem:$0x3FB3] =	sst s5  }
0xe: {  	[smem:$0x3FB4] =	sst s6  }
0xf: {  	[smem:$0x3FB5] =	sst s7  }
0x10: {  	[smem:$0x3FB6] =	sst s8  }
0x11: {  	[smem:$0x3FB7] =	sst s9;
	s0 =	simm.s32 @!p0 $0x0  }
0x12: {  	s1 =	sld [smem:$0x3F9D];
	s0 =	simm.s32 @p0 $0x1  }
0x13: {  	[smem:$0x3FB8] =	sst s0;
	s0 =	simm.s32 @!p1 $0x0  }
0x14: {  	s2 =	sld [smem:$0x3F9C];
	s0 =	simm.s32 @p1 $0x1  }
0x15: {  	[smem:$0x3FB9] =	sst s0;
	s0 =	simm.s32 @!p2 $0x0  }
0x16: {  	s3 =	sld [smem:$0x3FDB];
	s0 =	simm.s32 @p2 $0x1  }
0x17: {  	s4 =	simm.s32 $0x1BF5;
	[smem:$0x3FBB] =	sst s0  }
0x18: {  	s0 =	sld [smem:$0x3F9E];
	_ =	swait.ge [sflag:s4], $0x0  }
0x19: {  	s7 =	sld [smem:$0x3F9F]  }
0x1a: {  	s8 =	sadd.s32 $0xFFFFE003, lr  }
0x1b: {  	s9 =	sadd.s32 $0xFFFFFEF7, lr;
	s5 =	simm.s32 $0xFFFFFFFF;
	p2 =	slt.u32 s8, $0xFFFFF086  }
0x1c: {  	p1 =	slt.u32 s9, $0xF7A;
	s5 =	simm.s32 @!p2 $0x0  }
0x1d: {  	s5 =	simm.s32 @p1 $0x1;
	p0 =	seq.s32 s7, s2  }
0x1e: {  	s7 =	smul.u32 @!p0 $0xF7A, s2;
	p2 =	seq.s32 @!p0 s5, $0x0  }
0x1f: {  	s9 =	smul.u32 $0xF7A, s1;
	s8 =	simm.s32 @!p0 $0x1BF5;
	p2 =	por !p2, p0  }
0x20: {  	[sflag:s8] =	ssyncset.s32 @!p0 $0xFFFFF086;
	s6 =	sadd.s32 @!p0 s3, s7;
	s7 =	simm.s32 @!p0 $0x108  }
0x21: {  	s3 =	sadd.s32 s3, s9;
	s6 =	sadd.s32 @!p0 $0x88, s6;
	s7 =	simm.s32 @p2 $0x1082  }
0x22: {  	[simem:s7], [sflag:s8] =	dma.local @!p0 [hbm:s6], $0xF7A  }
0x23: {  	s9 =	sor.u32 $0xD0000000, s2;
	s6 =	simm.s32 $0x108;
	_ =	swait.ge @!p0 [sflag:s8], $0x0  }
0x24: {  	s3 =	sadd.s32 $0x88, s3;
	s6 =	simm.s32 @!p1 $0x1082;
	[sflag:s4] =	ssyncset.s32 $0xFFFFF086  }
0x25: {  	[simem:s6], [sflag:s4] =	dma.local [hbm:s3], $0xF7A  }
0x26: {  	[smem:$0x3F9F] =	sst s1;
	(tag) =	ssettag s2;
	_ =	strace s9  }
0x27: {  	s1 =	sld [smem:$0x3FAF]  }
0x28: {  	s2 =	sld [smem:$0x3FB0]  }
0x29: {  	s4 =	sld [smem:$0x3FB2]  }
0x2a: {  	p0 =	seq.s32 s5, $0x0;
	s5 =	sld [smem:$0x3FB3]  }
0x2b: {  	s6 =	sld [smem:$0x3FB4]  }
0x2c: {  	s7 =	sld [smem:$0x3FB5]  }
0x2d: {  	s3 =	simm.s32 $0x108;
	s8 =	sld [smem:$0x3FB6]  }
0x2e: {  	s3 =	simm.s32 @!p0 $0x1082;
	s9 =	sld [smem:$0x3FB7]  }
0x2f: {  	lr =	sadd.s32 s0, s3;
	s0 =	sld [smem:$0x3FAE]  }
0x30: {  	s3 =	sld [smem:$0x3FB1]  }
0x31: {  	[smem:$0x3FBA] =	sst s10  }
0x32: {  	s10 =	sld [smem:$0x3FB8];
	_ =	sdelay $0x3  }
0x33: {  	p0 =	seq.s32 s10, $0x1;
	s10 =	sld [smem:$0x3FBA];
	_ =	sdelay $0x3  }
0x34: {  	[smem:$0x3FBA] =	sst s10  }
0x35: {  	s10 =	sld [smem:$0x3FB9];
	_ =	sdelay $0x3  }
0x36: {  	p1 =	seq.s32 s10, $0x1;
	s10 =	sld [smem:$0x3FBA];
	_ =	sdelay $0x3  }
0x37: {  	[smem:$0x3FBA] =	sst s10  }
0x38: {  	s10 =	sld [smem:$0x3FBB]  }
0x39: {  	_ = 	snop;
	(pc) =	sbr.ind lr, $3  }
0x3a: {  	_ = 	snop  }
0x3b: {  	_ = 	snop  }
0x3c: {  	p2 =	seq.s32 s10, $0x1;
	s10 =	sld [smem:$0x3FBA]  }
0x3d: {  	_ =	shalt  }
0x3e: {  	_ =	shalt  }
0x3f: {  	_ =	shalt  }
0x40: {  	_ =	shalt  }
0x41: {  	_ =	shalt  }
0x42: {  	_ =	shalt  }
0x43: {  	_ =	shalt  }
0x44: {  	_ =	shalt  }
0x45: {  	_ =	shalt  }
0x46: {  	_ =	shalt  }
0x47: {  	_ =	shalt  }
0x48: {  	_ =	shalt  }
0x49: {  	_ =	shalt  }
0x4a: {  	_ =	shalt  }
0x4b: {  	_ =	shalt  }
0x4c: {  	_ =	shalt  }
0x4d: {  	_ =	shalt  }
0x4e: {  	_ =	shalt  }
0x4f: {  	_ =	shalt  }
0x50: {  	_ =	shalt  }
0x51: {  	_ =	shalt  }
0x52: {  	_ =	shalt  }
0x53: {  	_ =	shalt  }
0x54: {  	_ =	shalt  }
0x55: {  	_ =	shalt  }
0x56: {  	_ =	shalt  }
0x57: {  	_ =	shalt  }
0x58: {  	_ =	shalt  }
0x59: {  	_ =	shalt  }
0x5a: {  	_ =	shalt  }
0x5b: {  	_ =	shalt  }
0x5c: {  	_ =	shalt  }
0x5d: {  	_ =	shalt  }
0x5e: {  	_ =	shalt  }
0x5f: {  	_ =	shalt  }
0x60: {  	_ =	shalt  }
0x61: {  	_ =	shalt  }
0x62: {  	_ =	shalt  }
0x63: {  	_ =	shalt  }
0x64: {  	_ =	shalt  }
0x65: {  	_ =	shalt  }
0x66: {  	_ =	shalt  }
0x67: {  	_ =	shalt  }
0x68: {  	_ =	shalt  }
0x69: {  	_ =	shalt  }
0x6a: {  	_ =	shalt  }
0x6b: {  	_ =	shalt  }
0x6c: {  	_ =	shalt  }
0x6d: {  	_ =	shalt  }
0x6e: {  	_ =	shalt  }
0x6f: {  	_ =	shalt  }
0x70: {  	_ =	shalt  }
0x71: {  	_ =	shalt  }
0x72: {  	_ =	shalt  }
0x73: {  	_ =	shalt  }
0x74: {  	_ =	shalt  }
0x75: {  	_ =	shalt  }
0x76: {  	_ =	shalt  }
0x77: {  	_ =	shalt  }
0x78: {  	_ =	shalt  }
0x79: {  	_ =	shalt  }
0x7a: {  	_ =	shalt  }
0x7b: {  	_ =	shalt  }
0x7c: {  	_ =	shalt  }
0x7d: {  	_ =	shalt  }
0x7e: {  	_ =	shalt  }
0x7f: {  	_ =	shalt  }
0x80: {  	_ =	shalt  }
0x81: {  	_ =	shalt  }
0x82: {  	_ =	shalt  }
0x83: {  	_ =	shalt  }
0x84: {  	_ =	shalt  }
0x85: {  	_ =	shalt  }
0x86: {  	_ =	shalt  }
0x87: {  	_ =	shalt  }
.Lfunc_end0:
.L_simem_size_0:
called_computation_lowered:
.L_overlay_start_0:
0x88: {  	s2 =	sld [smem:$0x3FD9]  }
0x89: {  	s3 =	sld [smem:$0x3FFE];
	_ =	sdelay $0x1  }
0x8a: {  	s1 =	srdreg.scid  }
0x8b: {  	s0 =	sand.u32 $0x1, s1  }
0x8c: {  	s17 =	sshll.u32 s0, $0xA;
	s2 =	sadd.s32 s3, s2  }
0x8d: {  	s2 =	sadd.s32 s2, s17  }
0x8e: {  	[smem:$0x3FC6] =	sst s2  }
0x8f: {  	_ = 	snop  }
0x90: {  	s2 =	sld [smem:$0x3FC8]  }
0x91: {  	s18 =	sld [smem:$0x3FD0];
	(tm) =	ssettm $0x1  }
0x92: {  	s4 =	sld [smem:$0x3FFB];
	_ =	sdelay $0x3  }
0x93: {  	_ =	strace s4  }
0x94: {  	s4 =	sld [smem:$0x3FFC];
	_ =	sdelay $0x3  }
0x95: {  	_ =	strace s4  }
0x96: {  	s4 =	sld [smem:$0x3FFD];
	_ =	sdelay $0x3  }
0x97: {  	_ =	strace s4  }
0x98: {  	_ =	strace $0x8FFFFFFF  }
0x99: {  	s19 =	sld [smem:$0x3FDB];
	_ =	sdelay $0x1  }
0x9a: {  	s5 =	simm.s32 $_scs_section_size  }
0x9b: {  	s6 =	simm.s32 $_size__tile_overlayer_lowered;
	s7 =	simm.s32 $_tile_overlayer_lowered  }
0x9c: {  	s22 =	simm.s32 $0x1BFF;
	s21 =	sshll.u32 s7, $0x1;
	s4 =	sadd.s32 s5, s19  }
0x9d: {  	s8 =	simm.s32 $0x0;
	s20 =	sshll.u32 s6, $0x1;
	s6 =	sadd.s32 s21, s4  }
0x9e: {  	[timem:s8], [sflag:s22] =	dma.local [hbm:s6], s20  }
0x9f: {  	_ =	swait.ge [sflag:s22], s20  }
0xa0: {  	s5 =	ssub.s32 $0x0, s20;
	[sflag:s22] =	ssyncset.done $0x0  }
0xa1: {  	[sflag:s22] =	ssyncadd.s32 s5;
	_ =	sdelay $0x1  }
0xa2: {  	s23 =	simm.s32 $0x1B8B  }
0xa3: {  	_ =	swait.ge [sflag:s23], $0x1  }
0xa4: {  	[sflag:s23] =	ssyncset.done $0x0  }
0xa5: {  	s25 =	simm.s32 $0x1B8E;
	s24 =	sld [smem:$0x3FFE];
	[sflag:s23] =	ssyncadd.s32 $0xFFFFFFFF  }
0xa6: {  	s26 =	simm.s32 $execute0_lowered;
	[smem:$0x3FD2] =	sst s25  }
0xa7: {  	s6 =	sshll.u32 s26, $0x1;
	_ =	strace $0x80000046;
	[dreg:$0x1] =	wrdreg $0xFFFFFFFF  }
0xa8: {  	s28 =	simm.s32 $_size_execute0_lowered;
	s4 =	sadd.s32 s4, s6;
	[dreg:$0x0] =	wrdreg $0x0  }
0xa9: {  	s6 =	sshll.u32 s28, $0x1;
	[dreg:$0x2] =	wrdreg s4  }
0xaa: {  	[dreg:$0x3] =	wrdreg s6  }
0xab: {  	[dreg:$0x4] =	wrdreg $0xC0  }
0xac: {  	_ =	task [dreg:s8], $0x5FFFF  }
0xad: {  	[dreg:$0x1] =	wrdreg $0xFFFFFFFF  }
0xae: {  	[dreg:$0x0] =	wrdreg $0x60  }
0xaf: {  	[dreg:$0x2] =	wrdreg s18  }
0xb0: {  	[dreg:$0x3] =	wrdreg s2  }
0xb1: {  	[dreg:$0x4] =	wrdreg s24  }
0xb2: {  	[dreg:$0x5] =	wrdreg $0x9  }
0xb3: {  	_ =	task.clear_ibuf [dreg:s8], $0x6FFFF;
	_ =	strace $0x90000046  }
0xb4: {  	s29 =	simm.s32 $0x9;
	_ =	strace $0x80000048  }
0xb5: {  	_ =	swait.ge [sflag:s29], $0x1  }
0xb6: {  	[sflag:s29] =	ssyncadd.s32 $0xFFFFFFFF  }
0xb7: {  	_ =	strace $0x90000048  }
0xb8: {  	_ =	sfence  }
0xb9: {  	s30 =	sld [smem:$0x0];
	_ =	sdelay $0x2  }
0xba: {  	s31 =	sshll.u32 s1, $0xD;
	s1 =	sshrl.u32 s1, $0x2  }
0xbb: {  	s3 =	sand.u32 $0x4000, s31;
	s1 =	sadd.s32 s1, s30  }
0xbc: {  	s0 =	sor.u32 s3, s0;
	s1 =	sshll.u32 s1, $0x11  }
0xbd: {  	s0 =	sor.u32 s1, s0  }
0xbe: {  	s0 =	sadd.s32 $0x8F2B, s0  }
0xbf: {  	[sflag:s0] =	ssyncadd.remote.s32 $0x1  }
0xc0: {  	_ =	sfence.sel $0xFFFF  }
0xc1: {  	[dreg:$0x0] =	wrdreg $0xFFFFFFFF;
	(pc) =	sbr.abs _section_cstart, $3  }
0xc2: {  	[dreg:$0x1] =	wrdreg $0xFFFFFFFF  }
0xc3: {  	_ =	task.clear_ibuf [dreg:s8], $0x2FFFF;
	_ =	strace $0x9FFFFFFF  }
0xc4: {  	(tm) =	ssettm $0x7FFFFFFF  }
0xc5: {  	_ =	shalt  }
tec
execute0_lowered:
.L_overlay_start_1:
0x0: {  	(tag) =	ssettag $0x1  }
0x1: {  	s6 =	rddreg [dreg:$0x0]  }
0x2: {  	s1 =	rddreg [dreg:$0x1]  }
0x3: {  	s5 =	rddreg [dreg:$0x2]  }
0x4: {  	s0 =	rddreg [dreg:$0x3];
	s4 =	srdreg.scid  }
0x5: {  	s3 =	simm.s32 $0x0;
	s2 =	stileid.u32;
	s10 =	simm.s32 $0x4000  }
0x6: {  	s11 =	simm.s32 $0x5C00;
	s12 =	simm.s32 $0x7800;
	s13 =	simm.s32 $0x9400  }
0x7: {  	s14 =	simm.s32 $0xB000;
	s15 =	simm.s32 $0xCC00;
	s16 =	simm.s32 $0xE800  }
0x8: {  	s17 =	simm.s32 $0x10400;
	s18 =	simm.s32 $0x1;
	s19 =	simm.s32 $0x2  }
0x9: {  	s20 =	simm.s32 $0x3;
	s21 =	simm.s32 $0x4;
	s22 =	simm.s32 $0x0  }
0xa: {  	s4 =	sand.u32 $0x1, s4;
	s8 =	sshll.u32 s2, $0x8;
	[smem:$0x7FF] =	sst s3  }
0xb: {  	s5 =	sadd.s32 $0x400, s5;
	s7 =	ssub.s32 $0x2, s4;
	s4 =	sshll.u32 s4, $0x7  }
0xc: {  	_ =	strace $0x80000047;
	s9 =	sshrl.u32 s7, $0x1;
	s4 =	sor.u32 s4, s8  }
0xd: {  	s7 =	ssub.s32 s7, s9;
	s8 =	sshll.u32 s4, $0x4;
	s9 =	simm.s32 $0x32  }
0xe: {  	s6 =	sadd.s32 s6, s8;
	s7 =	smax.u32 s7, $0x1;
	s8 =	simm.s32 $0x5  }
.LBB2_1:
0xf: {  	[tilespmem:s3], [sflag:$0x5] =	stream.linear.gather [hbm4b:s6+s3], $0x4000, $0x38;
	[tilespmem:$0x12000] =	vst v63  }
0x10: {  	_ =	swait.ge [sflag:s8], $0x4000  }
0x11: {  	[sflag:s8] =	ssyncset.done $0x0  }
0x12: {  	s23 =	simm.s32 $0x0;
	[sflag:s8] =	ssyncadd.s32 $0xFFFFC000  }
.LBB2_2:
0x13: {  	p0 =	seq.s32 s23, $0x0  }
0x14: {  	s24 =	simm.s32 @!p0 $0x3  }
0x15: {  	_ =	swait.ge @!p0 [sflag:s24], $0x6400  }
0x16: {  	s25 =	sshll.u32 s23, $0xA;
	[sflag:s24] =	ssyncset.done @!p0 $0x0  }
0x17: {  	s26 =	sand.u32 $0x3FFFFC00, s25;
	[sflag:s24] =	ssyncadd.s32 @!p0 $0xFFFF9C00  }
0x18: {  	[tilespmem:s10], [sflag:$0x1] =	stream.indirect.gather [hbm4b:s1+s9], $0x80, s26, s9, $0xb8;
	[tilespmem:$0x12000] =	vst v63  }
0x19: {  	s29 =	sor.u32 $0x80, s26  }
0x1a: {  	[tilespmem:s11], [sflag:$0x1] =	stream.indirect.gather [hbm4b:s1+s9], $0x80, s29, s9, $0xb8;
	[tilespmem:$0x12000] =	vst v63  }
0x1b: {  	s30 =	sor.u32 $0x100, s26  }
0x1c: {  	[tilespmem:s12], [sflag:$0x1] =	stream.indirect.gather [hbm4b:s1+s9], $0x80, s30, s9, $0xb8;
	[tilespmem:$0x12000] =	vst v63  }
0x1d: {  	s25 =	sshll.u32 s23, $0x3;
	s28 =	simm.s32 @!p0 $0x4;
	s31 =	sor.u32 $0x180, s26  }
0x1e: {  	[tilespmem:s13], [sflag:$0x1] =	stream.indirect.gather [hbm4b:s1+s9], $0x80, s31, s9, $0xb8;
	[tilespmem:$0x12000] =	vst v63  }
0x1f: {  	s24 =	sor.u32 $0x4, s25;
	_ =	swait.ge @!p0 [sflag:s28], $0x6400  }
0x20: {  	s29 =	sshll.u32 s24, $0x7;
	[sflag:s28] =	ssyncset.done @!p0 $0x0  }
0x21: {  	[sflag:s28] =	ssyncadd.s32 @!p0 $0xFFFF9C00;
	s28 =	sand.u32 $0x3FFFFF80, s29  }
0x22: {  	[tilespmem:s14], [sflag:$0x2] =	stream.indirect.gather [hbm4b:s1+s9], $0x80, s28, s9, $0xb8;
	[tilespmem:$0x12000] =	vst v63  }
0x23: {  	s28 =	sadd.s32 $0x280, s26  }
0x24: {  	[tilespmem:s15], [sflag:$0x2] =	stream.indirect.gather [hbm4b:s1+s9], $0x80, s28, s9, $0xb8;
	[tilespmem:$0x12000] =	vst v63  }
0x25: {  	s28 =	sadd.s32 $0x300, s26  }
0x26: {  	[tilespmem:s16], [sflag:$0x2] =	stream.indirect.gather [hbm4b:s1+s9], $0x80, s28, s9, $0xb8;
	[tilespmem:$0x12000] =	vst v63  }
0x27: {  	s26 =	sadd.s32 $0x380, s26  }
0x28: {  	[tilespmem:s17], [sflag:$0x2] =	stream.indirect.gather [hbm4b:s1+s9], $0x80, s26, s9, $0xb8;
	[tilespmem:$0x12000] =	vst v63  }
0x29: {  	_ =	swait.ge [sflag:s18], $0x1900  }
0x2a: {  	[sflag:s18] =	ssyncset.done $0x0  }
0x2b: {  	[sflag:s18] =	ssyncadd.s32 $0xFFFFE700  }
0x2c: {  	_ =	swait.ge [sflag:s18], $0x1900  }
0x2d: {  	[sflag:s18] =	ssyncset.done $0x0  }
0x2e: {  	[sflag:s18] =	ssyncadd.s32 $0xFFFFE700  }
0x2f: {  	_ =	swait.ge [sflag:s18], $0x1900  }
0x30: {  	[sflag:s18] =	ssyncset.done $0x0  }
0x31: {  	[sflag:s18] =	ssyncadd.s32 $0xFFFFE700  }
0x32: {  	_ =	swait.ge [sflag:s18], $0x1900  }
0x33: {  	[sflag:s18] =	ssyncset.done $0x0  }
0x34: {  	s26 =	simm.s32 $0x0;
	[sflag:s18] =	ssyncadd.s32 $0xFFFFE700  }
0x35: {  	v0 =	vld [tilespmem:s26+$0x4000]  }
0x36: {  	v1 =	vld [tilespmem:s26+$0x4010]  }
0x37: {  	v2 =	vld [tilespmem:s26+$0x4020]  }
0x38: {  	v3 =	vld [tilespmem:s26+$0x4030]  }
0x39: {  	v4 =	vld [tilespmem:s26+$0x4040]  }
0x3a: {  	v5 =	vld [tilespmem:s26+$0x4050];
	v0 =	vmul.f32 $1.131370830e+01, v0  }
0x3b: {  	v6 =	vld [tilespmem:s26+$0x4060];
	v1 =	vmul.f32 $1.131370830e+01, v1  }
0x3c: {  	v2 =	vmul.f32 $1.131370830e+01, v2;
	[tilespmem:s26+$0x4000] =	vst v0;
	v0 =	vld [tilespmem:s26+$0x4070]  }
0x3d: {  	v3 =	vmul.f32 $1.131370830e+01, v3;
	[tilespmem:s26+$0x4010] =	vst v1;
	v1 =	vld [tilespmem:s26+$0x5C00]  }
0x3e: {  	v4 =	vmul.f32 $1.131370830e+01, v4;
	[tilespmem:s26+$0x4020] =	vst v2;
	v2 =	vld [tilespmem:s26+$0x5C10]  }
0x3f: {  	v5 =	vmul.f32 $1.131370830e+01, v5;
	[tilespmem:s26+$0x4030] =	vst v3;
	v3 =	vld [tilespmem:s26+$0x5C20]  }
0x40: {  	v6 =	vmul.f32 $1.131370830e+01, v6;
	[tilespmem:s26+$0x4040] =	vst v4;
	v4 =	vld [tilespmem:s26+$0x5C30]  }
0x41: {  	[tilespmem:s26+$0x4050] =	vst v5;
	v5 =	vld [tilespmem:s26+$0x5C40];
	v0 =	vmul.f32 $1.131370830e+01, v0  }
0x42: {  	[tilespmem:s26+$0x4060] =	vst v6;
	v6 =	vld [tilespmem:s26+$0x5C50];
	v1 =	vmul.f32 $1.131370830e+01, v1  }
0x43: {  	v2 =	vmul.f32 $1.131370830e+01, v2;
	[tilespmem:s26+$0x4070] =	vst v0;
	v0 =	vld [tilespmem:s26+$0x5C60]  }
0x44: {  	v3 =	vmul.f32 $1.131370830e+01, v3;
	[tilespmem:s26+$0x5C00] =	vst v1;
	v1 =	vld [tilespmem:s26+$0x5C70]  }
0x45: {  	v4 =	vmul.f32 $1.131370830e+01, v4;
	[tilespmem:s26+$0x5C10] =	vst v2;
	v2 =	vld [tilespmem:s26+$0x7800]  }
0x46: {  	v5 =	vmul.f32 $1.131370830e+01, v5;
	[tilespmem:s26+$0x5C20] =	vst v3;
	v3 =	vld [tilespmem:s26+$0x7810]  }
0x47: {  	v6 =	vmul.f32 $1.131370830e+01, v6;
	[tilespmem:s26+$0x5C30] =	vst v4;
	v4 =	vld [tilespmem:s26+$0x7820]  }
0x48: {  	[tilespmem:s26+$0x5C40] =	vst v5;
	v5 =	vld [tilespmem:s26+$0x7830];
	v0 =	vmul.f32 $1.131370830e+01, v0  }
0x49: {  	[tilespmem:s26+$0x5C50] =	vst v6;
	v6 =	vld [tilespmem:s26+$0x7840]  }
0x4a: {  	v1 =	vmul.f32 $1.131370830e+01, v1;
	[tilespmem:s26+$0x5C60] =	vst v0;
	v0 =	vld [tilespmem:s26+$0x7850]  }
0x4b: {  	v2 =	vmul.f32 $1.131370830e+01, v2  }
0x4c: {  	[tilespmem:s26+$0x5C70] =	vst v1;
	v1 =	vmul.f32 $1.131370830e+01, v3;
	v3 =	vld [tilespmem:s26+$0x7870]  }
0x4d: {  	v7 =	vld [tilespmem:s26+$0x7860];
	[tilespmem:s26+$0x7800] =	vst v2;
	v2 =	vmul.f32 $1.131370830e+01, v4  }
0x4e: {  	v4 =	vld [tilespmem:s26+$0x9400];
	[tilespmem:s26+$0x7810] =	vst v1;
	v1 =	vmul.f32 $1.131370830e+01, v5  }
0x4f: {  	[tilespmem:s26+$0x7820] =	vst v2;
	v5 =	vld [tilespmem:s26+$0x9410];
	v2 =	vmul.f32 $1.131370830e+01, v6;
	v6 =	vmul.f32 $1.131370830e+01, v0  }
0x50: {  	[tilespmem:s26+$0x7830] =	vst v1;
	v1 =	vld [tilespmem:s26+$0x9420]  }
0x51: {  	v0 =	vld [tilespmem:s26+$0x9430];
	[tilespmem:s26+$0x7850] =	vst v6;
	v6 =	vmul.f32 $1.131370830e+01, v3  }
0x52: {  	v7 =	vmul.f32 $1.131370830e+01, v7;
	[tilespmem:s26+$0x7840] =	vst v2;
	v2 =	vld [tilespmem:s26+$0x9440]  }
0x53: {  	v3 =	vld [tilespmem:s26+$0x9450];
	[tilespmem:s26+$0x7870] =	vst v6;
	v6 =	vmul.f32 $1.131370830e+01, v4  }
0x54: {  	s28 =	simm.s32 $0x200;
	[tilespmem:s26+$0x7860] =	vst v7;
	v5 =	vmul.f32 $1.131370830e+01, v5;
	v4 =	vld [tilespmem:s26+$0x9460]  }
.LBB2_3:
0x55: {  	s29 =	sshra.s32 s28, $0x2;
	p0 =	sne.s32 s28, $0x6200;
	[tilespmem:s26+$0x9400] =	vst v6;
	v1 =	vmul.f32 $1.131370830e+01, v1;
	v6 =	vld [tilespmem:s26+$0x9470]  }
0x56: {  	v7 =	vld [tilespmem:s29+$0x4000];
	[tilespmem:s26+$0x9410] =	vst v5;
	v0 =	vmul.f32 $1.131370830e+01, v0  }
0x57: {  	v5 =	vld [tilespmem:s29+$0x4010];
	[tilespmem:s26+$0x9420] =	vst v1;
	v1 =	vmul.f32 $1.131370830e+01, v2  }
0x58: {  	v2 =	vld [tilespmem:s29+$0x4020];
	[tilespmem:s26+$0x9430] =	vst v0;
	v0 =	vmul.f32 $1.131370830e+01, v3  }
0x59: {  	v3 =	vld [tilespmem:s29+$0x4030];
	[tilespmem:s26+$0x9440] =	vst v1;
	v1 =	vmul.f32 $1.131370830e+01, v4  }
0x5a: {  	v4 =	vld [tilespmem:s29+$0x4040];
	[tilespmem:s26+$0x9450] =	vst v0;
	v0 =	vmul.f32 $1.131370830e+01, v6  }
0x5b: {  	v6 =	vmul.f32 $1.131370830e+01, v7;
	v7 =	vld [tilespmem:s29+$0x4050];
	[tilespmem:s26+$0x9460] =	vst v1  }
0x5c: {  	v1 =	vmul.f32 $1.131370830e+01, v5;
	v5 =	vld [tilespmem:s29+$0x4060];
	[tilespmem:s26+$0x9470] =	vst v0;
	s26 =	smov.u32 s29  }
0x5d: {  	[tilespmem:s26+$0x4000] =	vst v6;
	v0 =	vmul.f32 $1.131370830e+01, v2;
	v2 =	vld [tilespmem:s26+$0x4070]  }
0x5e: {  	[tilespmem:s26+$0x4010] =	vst v1;
	v1 =	vmul.f32 $1.131370830e+01, v3;
	v3 =	vld [tilespmem:s26+$0x5C00]  }
0x5f: {  	[tilespmem:s26+$0x4020] =	vst v0;
	v0 =	vmul.f32 $1.131370830e+01, v4;
	v4 =	vld [tilespmem:s26+$0x5C10]  }
0x60: {  	[tilespmem:s26+$0x4030] =	vst v1;
	v1 =	vmul.f32 $1.131370830e+01, v7;
	v6 =	vld [tilespmem:s26+$0x5C20]  }
0x61: {  	[tilespmem:s26+$0x4040] =	vst v0;
	v0 =	vmul.f32 $1.131370830e+01, v5;
	v5 =	vld [tilespmem:s26+$0x5C30]  }
0x62: {  	[tilespmem:s26+$0x4050] =	vst v1;
	v1 =	vmul.f32 $1.131370830e+01, v2;
	v2 =	vld [tilespmem:s26+$0x5C40]  }
0x63: {  	[tilespmem:s26+$0x4060] =	vst v0;
	v0 =	vmul.f32 $1.131370830e+01, v3;
	v3 =	vld [tilespmem:s26+$0x5C50]  }
0x64: {  	[tilespmem:s26+$0x4070] =	vst v1;
	v1 =	vmul.f32 $1.131370830e+01, v4;
	v4 =	vld [tilespmem:s26+$0x5C60]  }
0x65: {  	[tilespmem:s26+$0x5C00] =	vst v0;
	v0 =	vmul.f32 $1.131370830e+01, v6;
	v6 =	vld [tilespmem:s26+$0x5C70]  }
0x66: {  	[tilespmem:s26+$0x5C10] =	vst v1;
	v1 =	vmul.f32 $1.131370830e+01, v5;
	v5 =	vld [tilespmem:s26+$0x7800]  }
0x67: {  	[tilespmem:s26+$0x5C20] =	vst v0;
	v0 =	vmul.f32 $1.131370830e+01, v2;
	v2 =	vld [tilespmem:s26+$0x7810]  }
0x68: {  	[tilespmem:s26+$0x5C30] =	vst v1;
	v1 =	vmul.f32 $1.131370830e+01, v3;
	v3 =	vld [tilespmem:s26+$0x7820]  }
0x69: {  	[tilespmem:s26+$0x5C40] =	vst v0;
	v0 =	vmul.f32 $1.131370830e+01, v4;
	v4 =	vld [tilespmem:s26+$0x7830]  }
0x6a: {  	[tilespmem:s26+$0x5C50] =	vst v1;
	v1 =	vmul.f32 $1.131370830e+01, v6;
	v6 =	vld [tilespmem:s26+$0x7840]  }
0x6b: {  	[tilespmem:s26+$0x5C60] =	vst v0;
	v0 =	vmul.f32 $1.131370830e+01, v5;
	v5 =	vld [tilespmem:s26+$0x7850]  }
0x6c: {  	[tilespmem:s26+$0x5C70] =	vst v1;
	v1 =	vmul.f32 $1.131370830e+01, v2;
	v2 =	vld [tilespmem:s26+$0x7860]  }
0x6d: {  	[tilespmem:s26+$0x7800] =	vst v0;
	v0 =	vmul.f32 $1.131370830e+01, v3;
	v3 =	vld [tilespmem:s26+$0x7870]  }
0x6e: {  	[tilespmem:s26+$0x7810] =	vst v1;
	v1 =	vmul.f32 $1.131370830e+01, v4;
	v4 =	vld [tilespmem:s26+$0x9400]  }
0x6f: {  	[tilespmem:s26+$0x7820] =	vst v0;
	v0 =	vmul.f32 $1.131370830e+01, v6;
	v7 =	vld [tilespmem:s26+$0x9410]  }
.Ltmp0:
0x70: {  	[tilespmem:s26+$0x7830] =	vst v1;
	v5 =	vmul.f32 $1.131370830e+01, v5;
	v1 =	vld [tilespmem:s26+$0x9420];
	(pc) =	sbr.rel @p0 .LBB2_3-.Ltmp0, $4  }
0x71: {  	[tilespmem:s26+$0x7840] =	vst v0;
	v6 =	vmul.f32 $1.131370830e+01, v2;
	v0 =	vld [tilespmem:s26+$0x9430]  }
0x72: {  	[tilespmem:s26+$0x7850] =	vst v5;
	v5 =	vmul.f32 $1.131370830e+01, v3;
	v2 =	vld [tilespmem:s26+$0x9440]  }
0x73: {  	[tilespmem:s26+$0x7860] =	vst v6;
	v6 =	vmul.f32 $1.131370830e+01, v4;
	v3 =	vld [tilespmem:s26+$0x9450]  }
0x74: {  	s28 =	sadd.s32 $0x200, s28;
	[tilespmem:s26+$0x7870] =	vst v5;
	v5 =	vmul.f32 $1.131370830e+01, v7;
	v4 =	vld [tilespmem:s26+$0x9460]  }
0x75: {  	[tilespmem:s26+$0x9400] =	vst v6;
	v1 =	vmul.f32 $1.131370830e+01, v1;
	v6 =	vld [tilespmem:s26+$0x9470]  }
0x76: {  	[tilespmem:s26+$0x9410] =	vst v5;
	v0 =	vmul.f32 $1.131370830e+01, v0  }
0x77: {  	[tilespmem:s26+$0x9420] =	vst v1;
	v1 =	vmul.f32 $1.131370830e+01, v2  }
0x78: {  	[tilespmem:s26+$0x9430] =	vst v0;
	v0 =	vmul.f32 $1.131370830e+01, v3  }
0x79: {  	s25 =	sadd.s32 s4, s25;
	[tilespmem:s26+$0x9440] =	vst v1;
	v1 =	vmul.f32 $1.131370830e+01, v4  }
0x7a: {  	s25 =	smul.u32 $0x380, s25;
	[tilespmem:s26+$0x9450] =	vst v0;
	v0 =	vmul.f32 $1.131370830e+01, v6  }
0x7b: {  	[tilespmem:s26+$0x9460] =	vst v1  }
0x7c: {  	s30 =	simm.s32 $0x0;
	s25 =	sadd.s32 s5, s25;
	[tilespmem:s26+$0x9470] =	vst v0  }
0x7d: {  	[hbm4b:s25+s30] =	stream.linear.scatter [tilespmem:s10], [sflag:$0x3], $0x1900, $0x38;
	[tilespmem:$0x12000] =	vst v63  }
0x7e: {  	s28 =	sadd.s32 $0x380, s25  }
0x7f: {  	[hbm4b:s28+s30] =	stream.linear.scatter [tilespmem:s11], [sflag:$0x3], $0x1900, $0x38;
	[tilespmem:$0x12000] =	vst v63  }
0x80: {  	s31 =	sadd.s32 $0x700, s25  }
0x81: {  	[hbm4b:s31+s30] =	stream.linear.scatter [tilespmem:s12], [sflag:$0x3], $0x1900, $0x38;
	[tilespmem:$0x12000] =	vst v63  }
0x82: {  	s25 =	sadd.s32 $0xA80, s25  }
0x83: {  	[hbm4b:s25+s30] =	stream.linear.scatter [tilespmem:s13], [sflag:$0x3], $0x1900, $0x38;
	[tilespmem:$0x12000] =	vst v63  }
0x84: {  	_ =	swait.ge [sflag:s19], $0x1900  }
0x85: {  	[sflag:s19] =	ssyncset.done $0x0  }
0x86: {  	[sflag:s19] =	ssyncadd.s32 $0xFFFFE700  }
0x87: {  	_ =	swait.ge [sflag:s19], $0x1900  }
0x88: {  	[sflag:s19] =	ssyncset.done $0x0  }
0x89: {  	[sflag:s19] =	ssyncadd.s32 $0xFFFFE700  }
0x8a: {  	_ =	swait.ge [sflag:s19], $0x1900  }
0x8b: {  	[sflag:s19] =	ssyncset.done $0x0  }
0x8c: {  	[sflag:s19] =	ssyncadd.s32 $0xFFFFE700  }
0x8d: {  	_ =	swait.ge [sflag:s19], $0x1900  }
0x8e: {  	[sflag:s19] =	ssyncset.done $0x0  }
0x8f: {  	s25 =	simm.s32 $0x0;
	[sflag:s19] =	ssyncadd.s32 $0xFFFFE700  }
0x90: {  	v0 =	vld [tilespmem:s25+$0xB000]  }
0x91: {  	v1 =	vld [tilespmem:s25+$0xB010]  }
0x92: {  	v2 =	vld [tilespmem:s25+$0xB020]  }
0x93: {  	v3 =	vld [tilespmem:s25+$0xB030]  }
0x94: {  	v4 =	vld [tilespmem:s25+$0xB040]  }
0x95: {  	v5 =	vld [tilespmem:s25+$0xB050];
	v0 =	vmul.f32 $1.131370830e+01, v0  }
0x96: {  	v6 =	vld [tilespmem:s25+$0xB060];
	v1 =	vmul.f32 $1.131370830e+01, v1  }
0x97: {  	v2 =	vmul.f32 $1.131370830e+01, v2;
	[tilespmem:s25+$0xB000] =	vst v0;
	v0 =	vld [tilespmem:s25+$0xB070]  }
0x98: {  	v3 =	vmul.f32 $1.131370830e+01, v3;
	[tilespmem:s25+$0xB010] =	vst v1;
	v1 =	vld [tilespmem:s25+$0xCC00]  }
0x99: {  	v4 =	vmul.f32 $1.131370830e+01, v4;
	[tilespmem:s25+$0xB020] =	vst v2;
	v2 =	vld [tilespmem:s25+$0xCC10]  }
0x9a: {  	v5 =	vmul.f32 $1.131370830e+01, v5;
	[tilespmem:s25+$0xB030] =	vst v3;
	v3 =	vld [tilespmem:s25+$0xCC20]  }
0x9b: {  	v6 =	vmul.f32 $1.131370830e+01, v6;
	[tilespmem:s25+$0xB040] =	vst v4;
	v4 =	vld [tilespmem:s25+$0xCC30]  }
0x9c: {  	[tilespmem:s25+$0xB050] =	vst v5;
	v5 =	vld [tilespmem:s25+$0xCC40];
	v0 =	vmul.f32 $1.131370830e+01, v0  }
0x9d: {  	[tilespmem:s25+$0xB060] =	vst v6;
	v6 =	vld [tilespmem:s25+$0xCC50];
	v1 =	vmul.f32 $1.131370830e+01, v1  }
0x9e: {  	v2 =	vmul.f32 $1.131370830e+01, v2;
	[tilespmem:s25+$0xB070] =	vst v0;
	v0 =	vld [tilespmem:s25+$0xCC60]  }
0x9f: {  	v3 =	vmul.f32 $1.131370830e+01, v3;
	[tilespmem:s25+$0xCC00] =	vst v1;
	v1 =	vld [tilespmem:s25+$0xCC70]  }
0xa0: {  	v4 =	vmul.f32 $1.131370830e+01, v4;
	[tilespmem:s25+$0xCC10] =	vst v2;
	v2 =	vld [tilespmem:s25+$0xE800]  }
0xa1: {  	v5 =	vmul.f32 $1.131370830e+01, v5;
	[tilespmem:s25+$0xCC20] =	vst v3;
	v3 =	vld [tilespmem:s25+$0xE810]  }
0xa2: {  	v6 =	vmul.f32 $1.131370830e+01, v6;
	[tilespmem:s25+$0xCC30] =	vst v4;
	v4 =	vld [tilespmem:s25+$0xE820]  }
0xa3: {  	[tilespmem:s25+$0xCC40] =	vst v5;
	v5 =	vld [tilespmem:s25+$0xE830];
	v0 =	vmul.f32 $1.131370830e+01, v0  }
0xa4: {  	[tilespmem:s25+$0xCC50] =	vst v6;
	v6 =	vld [tilespmem:s25+$0xE840]  }
0xa5: {  	v1 =	vmul.f32 $1.131370830e+01, v1;
	[tilespmem:s25+$0xCC60] =	vst v0;
	v0 =	vld [tilespmem:s25+$0xE850]  }
0xa6: {  	v2 =	vmul.f32 $1.131370830e+01, v2  }
0xa7: {  	[tilespmem:s25+$0xCC70] =	vst v1;
	v1 =	vmul.f32 $1.131370830e+01, v3;
	v3 =	vld [tilespmem:s25+$0xE870]  }
0xa8: {  	v7 =	vld [tilespmem:s25+$0xE860];
	[tilespmem:s25+$0xE800] =	vst v2;
	v2 =	vmul.f32 $1.131370830e+01, v4  }
0xa9: {  	v4 =	vld [tilespmem:s25+$0x10400];
	[tilespmem:s25+$0xE810] =	vst v1;
	v1 =	vmul.f32 $1.131370830e+01, v5  }
0xaa: {  	[tilespmem:s25+$0xE820] =	vst v2;
	v5 =	vld [tilespmem:s25+$0x10410];
	v2 =	vmul.f32 $1.131370830e+01, v6;
	v6 =	vmul.f32 $1.131370830e+01, v0  }
0xab: {  	[tilespmem:s25+$0xE830] =	vst v1;
	v1 =	vld [tilespmem:s25+$0x10420]  }
0xac: {  	v0 =	vld [tilespmem:s25+$0x10430];
	[tilespmem:s25+$0xE850] =	vst v6;
	v6 =	vmul.f32 $1.131370830e+01, v3  }
0xad: {  	v7 =	vmul.f32 $1.131370830e+01, v7;
	[tilespmem:s25+$0xE840] =	vst v2;
	v2 =	vld [tilespmem:s25+$0x10440]  }
0xae: {  	v3 =	vld [tilespmem:s25+$0x10450];
	[tilespmem:s25+$0xE870] =	vst v6;
	v6 =	vmul.f32 $1.131370830e+01, v4  }
0xaf: {  	s26 =	simm.s32 $0x200;
	[tilespmem:s25+$0xE860] =	vst v7;
	v5 =	vmul.f32 $1.131370830e+01, v5;
	v4 =	vld [tilespmem:s25+$0x10460]  }
.LBB2_5:
0xb0: {  	s28 =	sshra.s32 s26, $0x2;
	p0 =	sne.s32 s26, $0x6200;
	[tilespmem:s25+$0x10400] =	vst v6;
	v1 =	vmul.f32 $1.131370830e+01, v1;
	v6 =	vld [tilespmem:s25+$0x10470]  }
0xb1: {  	v7 =	vld [tilespmem:s28+$0xB000];
	[tilespmem:s25+$0x10410] =	vst v5;
	v0 =	vmul.f32 $1.131370830e+01, v0  }
0xb2: {  	v5 =	vld [tilespmem:s28+$0xB010];
	[tilespmem:s25+$0x10420] =	vst v1;
	v1 =	vmul.f32 $1.131370830e+01, v2  }
0xb3: {  	v2 =	vld [tilespmem:s28+$0xB020];
	[tilespmem:s25+$0x10430] =	vst v0;
	v0 =	vmul.f32 $1.131370830e+01, v3  }
0xb4: {  	v3 =	vld [tilespmem:s28+$0xB030];
	[tilespmem:s25+$0x10440] =	vst v1;
	v1 =	vmul.f32 $1.131370830e+01, v4  }
0xb5: {  	v4 =	vld [tilespmem:s28+$0xB040];
	[tilespmem:s25+$0x10450] =	vst v0;
	v0 =	vmul.f32 $1.131370830e+01, v6  }
0xb6: {  	v6 =	vmul.f32 $1.131370830e+01, v7;
	v7 =	vld [tilespmem:s28+$0xB050];
	[tilespmem:s25+$0x10460] =	vst v1  }
0xb7: {  	v1 =	vmul.f32 $1.131370830e+01, v5;
	v5 =	vld [tilespmem:s28+$0xB060];
	[tilespmem:s25+$0x10470] =	vst v0;
	s25 =	smov.u32 s28  }
0xb8: {  	[tilespmem:s25+$0xB000] =	vst v6;
	v0 =	vmul.f32 $1.131370830e+01, v2;
	v2 =	vld [tilespmem:s25+$0xB070]  }
0xb9: {  	[tilespmem:s25+$0xB010] =	vst v1;
	v1 =	vmul.f32 $1.131370830e+01, v3;
	v3 =	vld [tilespmem:s25+$0xCC00]  }
0xba: {  	[tilespmem:s25+$0xB020] =	vst v0;
	v0 =	vmul.f32 $1.131370830e+01, v4;
	v4 =	vld [tilespmem:s25+$0xCC10]  }
0xbb: {  	[tilespmem:s25+$0xB030] =	vst v1;
	v1 =	vmul.f32 $1.131370830e+01, v7;
	v6 =	vld [tilespmem:s25+$0xCC20]  }
0xbc: {  	[tilespmem:s25+$0xB040] =	vst v0;
	v0 =	vmul.f32 $1.131370830e+01, v5;
	v5 =	vld [tilespmem:s25+$0xCC30]  }
0xbd: {  	[tilespmem:s25+$0xB050] =	vst v1;
	v1 =	vmul.f32 $1.131370830e+01, v2;
	v2 =	vld [tilespmem:s25+$0xCC40]  }
0xbe: {  	[tilespmem:s25+$0xB060] =	vst v0;
	v0 =	vmul.f32 $1.131370830e+01, v3;
	v3 =	vld [tilespmem:s25+$0xCC50]  }
0xbf: {  	[tilespmem:s25+$0xB070] =	vst v1;
	v1 =	vmul.f32 $1.131370830e+01, v4;
	v4 =	vld [tilespmem:s25+$0xCC60]  }
0xc0: {  	[tilespmem:s25+$0xCC00] =	vst v0;
	v0 =	vmul.f32 $1.131370830e+01, v6;
	v6 =	vld [tilespmem:s25+$0xCC70]  }
0xc1: {  	[tilespmem:s25+$0xCC10] =	vst v1;
	v1 =	vmul.f32 $1.131370830e+01, v5;
	v5 =	vld [tilespmem:s25+$0xE800]  }
0xc2: {  	[tilespmem:s25+$0xCC20] =	vst v0;
	v0 =	vmul.f32 $1.131370830e+01, v2;
	v2 =	vld [tilespmem:s25+$0xE810]  }
0xc3: {  	[tilespmem:s25+$0xCC30] =	vst v1;
	v1 =	vmul.f32 $1.131370830e+01, v3;
	v3 =	vld [tilespmem:s25+$0xE820]  }
0xc4: {  	[tilespmem:s25+$0xCC40] =	vst v0;
	v0 =	vmul.f32 $1.131370830e+01, v4;
	v4 =	vld [tilespmem:s25+$0xE830]  }
0xc5: {  	[tilespmem:s25+$0xCC50] =	vst v1;
	v1 =	vmul.f32 $1.131370830e+01, v6;
	v6 =	vld [tilespmem:s25+$0xE840]  }
0xc6: {  	[tilespmem:s25+$0xCC60] =	vst v0;
	v0 =	vmul.f32 $1.131370830e+01, v5;
	v5 =	vld [tilespmem:s25+$0xE850]  }
0xc7: {  	[tilespmem:s25+$0xCC70] =	vst v1;
	v1 =	vmul.f32 $1.131370830e+01, v2;
	v2 =	vld [tilespmem:s25+$0xE860]  }
0xc8: {  	[tilespmem:s25+$0xE800] =	vst v0;
	v0 =	vmul.f32 $1.131370830e+01, v3;
	v3 =	vld [tilespmem:s25+$0xE870]  }
0xc9: {  	[tilespmem:s25+$0xE810] =	vst v1;
	v1 =	vmul.f32 $1.131370830e+01, v4;
	v4 =	vld [tilespmem:s25+$0x10400]  }
0xca: {  	[tilespmem:s25+$0xE820] =	vst v0;
	v0 =	vmul.f32 $1.131370830e+01, v6;
	v7 =	vld [tilespmem:s25+$0x10410]  }
.Ltmp1:
0xcb: {  	[tilespmem:s25+$0xE830] =	vst v1;
	v5 =	vmul.f32 $1.131370830e+01, v5;
	v1 =	vld [tilespmem:s25+$0x10420];
	(pc) =	sbr.rel @p0 .LBB2_5-.Ltmp1, $4  }
0xcc: {  	[tilespmem:s25+$0xE840] =	vst v0;
	v6 =	vmul.f32 $1.131370830e+01, v2;
	v0 =	vld [tilespmem:s25+$0x10430]  }
0xcd: {  	[tilespmem:s25+$0xE850] =	vst v5;
	v5 =	vmul.f32 $1.131370830e+01, v3;
	v2 =	vld [tilespmem:s25+$0x10440]  }
0xce: {  	[tilespmem:s25+$0xE860] =	vst v6;
	v6 =	vmul.f32 $1.131370830e+01, v4;
	v3 =	vld [tilespmem:s25+$0x10450]  }
0xcf: {  	s26 =	sadd.s32 $0x200, s26;
	[tilespmem:s25+$0xE870] =	vst v5;
	v5 =	vmul.f32 $1.131370830e+01, v7;
	v4 =	vld [tilespmem:s25+$0x10460]  }
0xd0: {  	[tilespmem:s25+$0x10400] =	vst v6;
	v1 =	vmul.f32 $1.131370830e+01, v1;
	v59 =	vld [tilespmem:s25+$0x10470]  }
0xd1: {  	[tilespmem:s25+$0x10410] =	vst v5;
	v0 =	vmul.f32 $1.131370830e+01, v0  }
0xd2: {  	[tilespmem:s25+$0x10420] =	vst v1;
	v60 =	vmul.f32 $1.131370830e+01, v2  }
0xd3: {  	[tilespmem:s25+$0x10430] =	vst v0;
	v61 =	vmul.f32 $1.131370830e+01, v3  }
0xd4: {  	s24 =	sadd.s32 s4, s24;
	[tilespmem:s25+$0x10440] =	vst v60;
	v62 =	vmul.f32 $1.131370830e+01, v4  }
0xd5: {  	s24 =	smul.u32 $0x380, s24;
	[tilespmem:s25+$0x10450] =	vst v61;
	v63 =	vmul.f32 $1.131370830e+01, v59  }
0xd6: {  	[tilespmem:s25+$0x10460] =	vst v62  }
0xd7: {  	s23 =	sadd.s32 $0x1, s23;
	s24 =	sadd.s32 s5, s24;
	[tilespmem:s25+$0x10470] =	vst v63  }
0xd8: {  	[hbm4b:s24+s3] =	stream.linear.scatter [tilespmem:s14], [sflag:$0x4], $0x1900, $0x38;
	[tilespmem:$0x12000] =	vst v63  }
0xd9: {  	p0 =	sne.s32 s23, $0x10;
	s30 =	sadd.s32 $0x380, s24  }
0xda: {  	[hbm4b:s30+s3] =	stream.linear.scatter [tilespmem:s15], [sflag:$0x4], $0x1900, $0x38;
	[tilespmem:$0x12000] =	vst v63  }
.Ltmp2:
0xdb: {  	_ = 	snop;
	(pc) =	sbr.rel @p0 .LBB2_2-.Ltmp2, $4  }
0xdc: {  	s31 =	sadd.s32 $0x700, s24  }
0xdd: {  	[hbm4b:s31+s3] =	stream.linear.scatter [tilespmem:s16], [sflag:$0x4], $0x1900, $0x38;
	[tilespmem:$0x12000] =	vst v63  }
0xde: {  	s24 =	sadd.s32 $0xA80, s24  }
0xdf: {  	[hbm4b:s24+s3] =	stream.linear.scatter [tilespmem:s17], [sflag:$0x4], $0x1900, $0x38;
	[tilespmem:$0x12000] =	vst v63  }
0xe0: {  	s22 =	sadd.s32 $0x1, s22  }
0xe1: {  	_ =	swait.ge [sflag:s20], $0x6400;
	p0 =	sne.s32 s22, s7  }
.Ltmp3:
0xe2: {  	[sflag:s20] =	ssyncset.done $0x0;
	(pc) =	sbr.rel @p0 .LBB2_1-.Ltmp3, $4  }
0xe3: {  	[sflag:s20] =	ssyncadd.s32 $0xFFFF9C00  }
0xe4: {  	_ =	swait.ge [sflag:s21], $0x6400  }
0xe5: {  	[sflag:s21] =	ssyncset.done $0x0  }
0xe6: {  	[sflag:s21] =	ssyncadd.s32 $0xFFFF9C00  }
0xe7: {  	_ =	sfence.sel $0x180000  }
0xe8: {  	[bflag:$0x0] =	sbarrier.arrive $0xFFFF  }
0xe9: {  	p0 =	sne.s32 s2, $0x0;
	_ =	strace $0x90000047  }
0xea: {  	s0 =	sadd.s32 @!p0 $0x100000, s0;
	[bflag:$0x2] =	sbarrier.arrive $0xFFFF  }
0xeb: {  	[sflag:s0] =	ssyncadd.tile.s32 @!p0 $0x1;
	_ =	shalt  }
.Lfunc_end2:
_tile_overlayer_lowered:
.L_overlay_start_2:
0xec: {  	(tag) =	ssettag $0x2  }
0xed: {  	s0 =	rddreg [dreg:$0x0];
	s2 =	stileid.u32  }
0xee: {  	s1 =	rddreg [dreg:$0x1];
	p0 =	sne.s32 s2, $0x0  }
0xef: {  	s3 =	rddreg [dreg:$0x2];
	[bflag:$0x3] =	sbarrier.arrive $0xFFFF;
	s2 =	simm.s32 @!p0 $0x1C05  }
0xf0: {  	[timem:s3], [sflag:s2] =	dma.local @!p0 [hbm:s0], s1  }
0xf1: {  	s0 =	simm.s32 @!p0 $0x5  }
0xf2: {  	_ =	swait.ge @!p0 [sflag:s0], s1  }
0xf3: {  	s1 =	ssub.s32 @!p0 $0x0, s1;
	[sflag:s0] =	ssyncset.done @!p0 $0x0  }
0xf4: {  	[sflag:s0] =	ssyncadd.s32 @!p0 s1  }
0xf5: {  	[bflag:$0x3] =	sbarrier.arrive $0xFFFF  }
0xf6: {  	_ =	shalt  }

</sc_bundles>
